<compile_context>
chip_gen: v7x
topology: tpu7x:2x2x1
jax: 0.10.2.dev20260603
libtpu: 0.0.44.dev20260713+nightly
codegen_flags: <defaults>
</compile_context>

<pallas_src>
import functools

import jax
import jax.numpy as jnp
from jax import lax
from jax.experimental import pallas as pl
from jax.experimental.pallas import tpu as pltpu
from jax.experimental.pallas import tpu_sc as plsc

C = 8
V = 1024
H = 2048
B = 4
S = 2048
SCALE = 10.0

NW = 32
TOKENS = S * B
T_PER_W = TOKENS // NW
K = 2
NBUF = 2
NCHUNK = T_PER_W // K
IDX_ROWS = T_PER_W * C // 16


def _body(table_hbm, idx_hbm, out_hbm,
          idx_v, gbufs, obufs, gsems, osems):
  nc = 2
  wid = lax.axis_index("s") * nc + lax.axis_index("c")
  row0 = wid * IDX_ROWS
  tok0 = wid * T_PER_W

  pltpu.sync_copy(idx_hbm.at[pl.ds(row0, IDX_ROWS)], idx_v)
  offs = (lax.iota(jnp.int32, 16) & 7) * V

  @pl.loop(0, IDX_ROWS)
  def _(r):
    idx_v[r] = idx_v[r] + offs

  def start_gather(chunk, b):
    pltpu.async_copy(table_hbm.at[idx_v.at[chunk]], gbufs.at[b], gsems.at[b])

  def wait_gather(b):
    pltpu.make_async_copy(
        table_hbm.at[idx_v.at[0]], gbufs.at[b], gsems.at[b]).wait()

  for b in range(NBUF):
    start_gather(b, b)

  @pl.loop(0, NCHUNK, step=NBUF)
  def _(g):
    rb = lax.shift_right_logical(g, 1) & 3
    orow = obufs.at[rb]
    @pl.when(g >= 4 * NBUF)
    def _():
      pltpu.make_async_copy(orow, out_hbm.at[0], osems.at[rb]).wait()

    for b in range(NBUF):
      gc = g + b
      wait_gather(b)
      gbuf = gbufs.at[b]

      @plsc.parallel_loop(0, H, 16, unroll=4)
      def _(j):
        col = pl.ds(j, 16)
        for k in range(K):
          v = [gbuf[k * C + c, col] for c in range(C)]
          s01 = v[0] + v[1]
          s23 = v[2] + v[3]
          s45 = v[4] + v[5]
          s67 = v[6] + v[7]
          orow[b * K + k, col] = ((s01 + s23) + (s45 + s67)) * SCALE

      @pl.when(gc + NBUF < NCHUNK)
      def _():
        start_gather(gc + NBUF, b)

    row = lax.shift_right_logical(tok0 + g * K, 2)
    pltpu.async_copy(orow, out_hbm.at[row], osems.at[rb])

  for rb in range(4):
    pltpu.make_async_copy(obufs.at[rb], out_hbm.at[0], osems.at[rb]).wait()


@jax.jit
def _run(table_flat, idx2d):
  mesh = plsc.VectorSubcoreMesh(core_axis_name="c", subcore_axis_name="s")
  return pl.kernel(
      _body,
      out_type=jax.ShapeDtypeStruct((S, B, H), jnp.float32),
      mesh=mesh,
      scratch_types=[
          pltpu.VMEM((IDX_ROWS, 16), jnp.int32),
          pltpu.VMEM((NBUF, K * C, H), jnp.float32),
          pltpu.VMEM((4, B, H), jnp.float32),
          pltpu.SemaphoreType.DMA((NBUF,)),
          pltpu.SemaphoreType.DMA((4,)),
      ],
  )(table_flat, idx2d)


def kernel(audio_ids, tables):
  ids = jnp.transpose(audio_ids, (1, 0, 2))
  idx2d = ids.reshape(TOKENS * C // 16, 16)
  table_flat = tables.reshape(C * V, H)
  return _run(table_flat, idx2d)

# --- scband reference (transcript-rebuilt; emitter-appended) ---
"""Pipeline reference for scband-channel-parallel-embedding-9990093930880 (READ-ONLY COPY).

The authoritative reference and input builder live on the scoring server;
editing this copy changes nothing except your own understanding.
"""

import jax, jax.numpy as jnp
import numpy as np

NUM_CHANNEL = 8
VOCAB_SIZE = 1024
HIDDEN_SIZE = 2048
MICRO_BATCH = 4
SEQ_LENGTH = 2048
INPUT_MULT = 10.0
USE_MUP = True


def setup_inputs(seed: int = 0) -> dict:
    key = jax.random.key(seed)
    k_ids, k_tab = jax.random.split(key)
    audio_ids = jax.random.randint(k_ids, (MICRO_BATCH, SEQ_LENGTH, NUM_CHANNEL), 0, VOCAB_SIZE, dtype=jnp.int64 if jax.config.jax_enable_x64 else jnp.int32)
    audio_ids = audio_ids.astype(jnp.int32)
    # one embedding table per channel, stacked: [C, V, H]
    tables = jax.random.normal(k_tab, (NUM_CHANNEL, VOCAB_SIZE, HIDDEN_SIZE), dtype=jnp.float32)
    return {"audio_ids": audio_ids, "tables": tables}


def reference(audio_ids, tables):
    # reduce_channel=True path of ChannelParallelEmbedding.forward
    ids = audio_ids
    if ids.shape[0] == MICRO_BATCH and ids.shape[1] == SEQ_LENGTH:
        ids = jnp.transpose(ids, (1, 0, 2))  # [S, B, C]
    embeddings = None
    for c in range(NUM_CHANNEL):
        emb_c = jnp.take(tables[c], ids[..., c], axis=0)  # [S, B, H]
        embeddings = emb_c if embeddings is None else embeddings + emb_c
    if USE_MUP:
        embeddings = embeddings * INPUT_MULT
    return embeddings

if __name__ == "__main__":
    import jax
    _d = setup_inputs()
    print(jax.jit(kernel)(*tuple(_d.values())))

</pallas_src>

<mosaic_0001>
#map = affine_map<(d0, d1) -> (0, 0)>
#map1 = affine_map<(d0, d1) -> (0, 0, 0)>
module attributes {stable_mosaic.version = 14 : i64} {
  func.func @_body(%arg0: i32, %arg1: i32, %arg2: memref<8192x2048xf32, #tpu.memory_space<hbm>>, %arg3: memref<4096x16xi32, #tpu.memory_space<hbm>>, %arg4: memref<2048x4x2048xf32, #tpu.memory_space<hbm>>, %arg5: memref<128x16xi32, #tpu.memory_space<vmem>>, %arg6: memref<2x16x2048xf32, #tpu.memory_space<vmem>>, %arg7: memref<4x4x2048xf32, #tpu.memory_space<vmem>>, %arg8: memref<2x!tpu.dma_semaphore, #tpu.memory_space<semaphore_mem>>, %arg9: memref<4x!tpu.dma_semaphore, #tpu.memory_space<semaphore_mem>>) attributes {dimension_semantics = [#tpu.dimension_semantics<core_parallel>, #tpu.dimension_semantics<subcore_parallel>], iteration_bounds = array<i64: 2, 16>, scalar_prefetch = 0 : i64, scratch_operands = 5 : i64, tpu.core_type = #tpu.core_type<sc_vector_subcore>, window_params = [{transform_indices = #map}, {transform_indices = #map}, {transform_indices = #map1}]} {
    %mul3A = arith.constant 2 : i32
    %mul3A_0 = arith.muli %arg1, %mul3A : i32
    %add3A = arith.addi %mul3A_0, %arg0 : i32
    %mul3A_1 = arith.constant 128 : i32
    %mul3A_2 = arith.muli %add3A, %mul3A_1 : i32
    %mul3A_3 = arith.constant 256 : i32
    %mul3A_4 = arith.muli %add3A, %mul3A_3 : i32
    "tpu.region"() ({
      %run_scoped3A = tpu.sem_alloc : memref<!tpu.dma_semaphore, #tpu.memory_space<semaphore_mem>>
      %dma_start3A_131 = arith.constant 0 : i32
      %dma_start3A_132 = tpu.memref_slice %arg3[%mul3A_2, %dma_start3A_131] : memref<4096x16xi32, #tpu.memory_space<hbm>> -> memref<128x16xi32, #tpu.memory_space<hbm>>
      %dma_start3A_133 = arith.constant 0 : i32
      %dma_start3A_134 = tpu.memref_slice %arg3[%mul3A_2, %dma_start3A_133] : memref<4096x16xi32, #tpu.memory_space<hbm>> -> memref<128x16xi32, #tpu.memory_space<hbm>>
      tpu.enqueue_dma source(%dma_start3A_134 : memref<128x16xi32, #tpu.memory_space<hbm>>) target(%arg5 : memref<128x16xi32, #tpu.memory_space<vmem>>) target_semaphore(%run_scoped3A : memref<!tpu.dma_semaphore, #tpu.memory_space<semaphore_mem>>)
      %dma_wait3A_135 = arith.constant 0 : i32
      %dma_wait3A_136 = tpu.memref_slice %arg3[%mul3A_2, %dma_wait3A_135] : memref<4096x16xi32, #tpu.memory_space<hbm>> -> memref<128x16xi32, #tpu.memory_space<hbm>>
      %dma_wait3A_137 = arith.constant 0 : i32
      %dma_wait3A_138 = tpu.memref_slice %arg3[%mul3A_2, %dma_wait3A_137] : memref<4096x16xi32, #tpu.memory_space<hbm>> -> memref<128x16xi32, #tpu.memory_space<hbm>>
      tpu.wait_dma2 semaphore(%run_scoped3A : memref<!tpu.dma_semaphore, #tpu.memory_space<semaphore_mem>>) src(%dma_wait3A_138 : memref<128x16xi32, #tpu.memory_space<hbm>>) dst(%arg5 : memref<128x16xi32, #tpu.memory_space<vmem>>)
      tpu.yield
    }) : () -> ()
    %iota3A = tpu.iota {dimensions = array<i32: 0>} : vector<16xi32>
    %and3A = arith.constant 7 : i32
    %and3A_5 = vector.broadcast %and3A : i32 to vector<16xi32>
    %and3A_6 = arith.andi %iota3A, %and3A_5 : vector<16xi32>
    %mul3A_7 = arith.constant 1024 : i32
    %mul3A_8 = vector.broadcast %mul3A_7 : i32 to vector<16xi32>
    %mul3A_9 = arith.muli %and3A_6, %mul3A_8 : vector<16xi32>
    %scan3A = arith.constant 0 : i32
    %scan3A_10 = arith.constant 128 : i32
    %scan3A_11 = arith.addi %scan3A, %scan3A_10 : i32
    %scan3A_12 = arith.constant 1 : i32
    scf.for %scan3A_131 = %scan3A to %scan3A_11 step %scan3A_12  : i32 {
      %mul3A_132 = arith.constant 1 : i32
      %mul3A_133 = arith.muli %scan3A_131, %mul3A_132 : i32
      %add3A_134 = arith.constant 0 : i32
      %add3A_135 = arith.addi %add3A_134, %mul3A_133 : i32
      %get3A = arith.index_cast %add3A_135 : i32 to index
      %get3A_136 = arith.constant 0 : index
      %get3A_137 = tpu.vector_load %arg5[%get3A, %get3A_136] {strides = array<i32>} : memref<128x16xi32, #tpu.memory_space<vmem>>, vector<1x16xi32>,
      %get3A_138 = vector.shape_cast %get3A_137 : vector<1x16xi32> to vector<16xi32>
      %add3A_139 = arith.addi %get3A_138, %mul3A_9 : vector<16xi32>
      %swap3A = arith.index_cast %add3A_135 : i32 to index
      %swap3A_140 = arith.constant 0 : index
      %swap3A_141 = tpu.vector_load %arg5[%swap3A, %swap3A_140] {strides = array<i32>} : memref<128x16xi32, #tpu.memory_space<vmem>>, vector<1x16xi32>,
      %swap3A_142 = vector.shape_cast %swap3A_141 : vector<1x16xi32> to vector<16xi32>
      %swap3A_143 = vector.shape_cast %add3A_139 : vector<16xi32> to vector<1x16xi32>
      tpu.vector_store %arg5[%swap3A, %swap3A_140], %swap3A_143 {strides = array<i32>} : memref<128x16xi32, #tpu.memory_space<vmem>>, vector<1x16xi32>,
    }
    %scan3A_13 = arith.constant 128 : i32
    %dma_start3A = arith.constant 0 : i32
    %dma_start3A_14 = arith.constant 0 : i32
    %dma_start3A_15 = arith.constant 0 : i32
    %dma_start3A_16 = arith.constant 0 : i32
    %dma_start3A_17 = arith.constant 0 : i32
    %dma_start3A_18 = tpu.memref_slice %arg6[%dma_start3A_14, %dma_start3A_16, %dma_start3A_17] : memref<2x16x2048xf32, #tpu.memory_space<vmem>> -> memref<1x16x2048xf32, #tpu.memory_space<vmem>>
    %dma_start3A_19 = tpu.memref_squeeze %dma_start3A_18 : memref<1x16x2048xf32, #tpu.memory_space<vmem>> -> memref<16x2048xf32, #tpu.memory_space<vmem>>
    %dma_start3A_20 = arith.constant 0 : i32
    %dma_start3A_21 = tpu.memref_slice %arg5[%dma_start3A, %dma_start3A_20] : memref<128x16xi32, #tpu.memory_space<vmem>> -> memref<1x16xi32, #tpu.memory_space<vmem>>
    %dma_start3A_22 = tpu.memref_squeeze %dma_start3A_21 : memref<1x16xi32, #tpu.memory_space<vmem>> -> memref<16xi32, #tpu.memory_space<vmem>>
    %dma_start3A_23 = arith.constant 0 : i32
    %dma_start3A_24 = arith.constant 0 : i32
    %dma_start3A_25 = tpu.memref_slice %arg2[%dma_start3A_23, %dma_start3A_24] : memref<8192x2048xf32, #tpu.memory_space<hbm>> -> memref<8192x2048xf32, #tpu.memory_space<hbm>>
    %dma_start3A_26 = tpu.memref_slice %arg8[%dma_start3A_15] : memref<2x!tpu.dma_semaphore, #tpu.memory_space<semaphore_mem>> -> memref<1x!tpu.dma_semaphore, #tpu.memory_space<semaphore_mem>>
    %dma_start3A_27 = tpu.memref_squeeze %dma_start3A_26 : memref<1x!tpu.dma_semaphore, #tpu.memory_space<semaphore_mem>> -> memref<!tpu.dma_semaphore, #tpu.memory_space<semaphore_mem>>
    tpu.enqueue_indirect_dma source(%dma_start3A_25 : memref<8192x2048xf32, #tpu.memory_space<hbm>>) target(%dma_start3A_19 : memref<16x2048xf32, #tpu.memory_space<vmem>>) offsets(%dma_start3A_22 : memref<16xi32, #tpu.memory_space<vmem>>) semaphore(%dma_start3A_27 : memref<!tpu.dma_semaphore, #tpu.memory_space<semaphore_mem>>)
    %dma_start3A_28 = arith.constant 1 : i32
    %dma_start3A_29 = arith.constant 1 : i32
    %dma_start3A_30 = arith.constant 1 : i32
    %dma_start3A_31 = arith.constant 0 : i32
    %dma_start3A_32 = arith.constant 0 : i32
    %dma_start3A_33 = tpu.memref_slice %arg6[%dma_start3A_29, %dma_start3A_31, %dma_start3A_32] : memref<2x16x2048xf32, #tpu.memory_space<vmem>> -> memref<1x16x2048xf32, #tpu.memory_space<vmem>>
    %dma_start3A_34 = tpu.memref_squeeze %dma_start3A_33 : memref<1x16x2048xf32, #tpu.memory_space<vmem>> -> memref<16x2048xf32, #tpu.memory_space<vmem>>
    %dma_start3A_35 = arith.constant 0 : i32
    %dma_start3A_36 = tpu.memref_slice %arg5[%dma_start3A_28, %dma_start3A_35] : memref<128x16xi32, #tpu.memory_space<vmem>> -> memref<1x16xi32, #tpu.memory_space<vmem>>
    %dma_start3A_37 = tpu.memref_squeeze %dma_start3A_36 : memref<1x16xi32, #tpu.memory_space<vmem>> -> memref<16xi32, #tpu.memory_space<vmem>>
    %dma_start3A_38 = arith.constant 0 : i32
    %dma_start3A_39 = arith.constant 0 : i32
    %dma_start3A_40 = tpu.memref_slice %arg2[%dma_start3A_38, %dma_start3A_39] : memref<8192x2048xf32, #tpu.memory_space<hbm>> -> memref<8192x2048xf32, #tpu.memory_space<hbm>>
    %dma_start3A_41 = tpu.memref_slice %arg8[%dma_start3A_30] : memref<2x!tpu.dma_semaphore, #tpu.memory_space<semaphore_mem>> -> memref<1x!tpu.dma_semaphore, #tpu.memory_space<semaphore_mem>>
    %dma_start3A_42 = tpu.memref_squeeze %dma_start3A_41 : memref<1x!tpu.dma_semaphore, #tpu.memory_space<semaphore_mem>> -> memref<!tpu.dma_semaphore, #tpu.memory_space<semaphore_mem>>
    tpu.enqueue_indirect_dma source(%dma_start3A_40 : memref<8192x2048xf32, #tpu.memory_space<hbm>>) target(%dma_start3A_34 : memref<16x2048xf32, #tpu.memory_space<vmem>>) offsets(%dma_start3A_37 : memref<16xi32, #tpu.memory_space<vmem>>) semaphore(%dma_start3A_42 : memref<!tpu.dma_semaphore, #tpu.memory_space<semaphore_mem>>)
    %scan3A_43 = arith.constant 0 : i32
    %scan3A_44 = arith.constant 64 : i32
    %scan3A_45 = arith.addi %scan3A_43, %scan3A_44 : i32
    %scan3A_46 = arith.constant 1 : i32
    scf.for %scan3A_131 = %scan3A_43 to %scan3A_45 step %scan3A_46  : i32 {
      %mul3A_132 = arith.constant 2 : i32
      %mul3A_133 = arith.muli %scan3A_131, %mul3A_132 : i32
      %add3A_134 = arith.constant 0 : i32
      %add3A_135 = arith.addi %add3A_134, %mul3A_133 : i32
      %shift_right_logical3A = arith.constant 1 : i32
      %shift_right_logical3A_136 = arith.shrui %add3A_135, %shift_right_logical3A : i32
      %and3A_137 = arith.constant 3 : i32
      %and3A_138 = arith.andi %shift_right_logical3A_136, %and3A_137 : i32
      %ge3A = arith.constant 8 : i32
      %ge3A_139 = arith.cmpi sge, %add3A_135, %ge3A : i32
      %convert_element_type3A = arith.extui %ge3A_139 : i1 to i32
      %cond3A = arith.constant 0 : i32
      %cond3A_140 = arith.cmpi ne, %convert_element_type3A, %cond3A : i32
      scf.if %cond3A_140 {
        %dma_wait3A_218 = arith.constant 0 : i32
        %dma_wait3A_219 = arith.constant 0 : i32
        %dma_wait3A_220 = arith.constant 0 : i32
        %dma_wait3A_221 = tpu.memref_slice %arg7[%and3A_138, %dma_wait3A_219, %dma_wait3A_220] : memref<4x4x2048xf32, #tpu.memory_space<vmem>> -> memref<1x4x2048xf32, #tpu.memory_space<vmem>>
        %dma_wait3A_222 = tpu.memref_squeeze %dma_wait3A_221 : memref<1x4x2048xf32, #tpu.memory_space<vmem>> -> memref<4x2048xf32, #tpu.memory_space<vmem>>
        %dma_wait3A_223 = arith.constant 0 : i32
        %dma_wait3A_224 = arith.constant 0 : i32
        %dma_wait3A_225 = tpu.memref_slice %arg4[%dma_wait3A_218, %dma_wait3A_223, %dma_wait3A_224] : memref<2048x4x2048xf32, #tpu.memory_space<hbm>> -> memref<1x4x2048xf32, #tpu.memory_space<hbm>>
        %dma_wait3A_226 = tpu.memref_squeeze %dma_wait3A_225 : memref<1x4x2048xf32, #tpu.memory_space<hbm>> -> memref<4x2048xf32, #tpu.memory_space<hbm>>
        %dma_wait3A_227 = tpu.memref_slice %arg9[%and3A_138] : memref<4x!tpu.dma_semaphore, #tpu.memory_space<semaphore_mem>> -> memref<1x!tpu.dma_semaphore, #tpu.memory_space<semaphore_mem>>
        %dma_wait3A_228 = tpu.memref_squeeze %dma_wait3A_227 : memref<1x!tpu.dma_semaphore, #tpu.memory_space<semaphore_mem>> -> memref<!tpu.dma_semaphore, #tpu.memory_space<semaphore_mem>>
        %dma_wait3A_229 = arith.constant 0 : i32
        %dma_wait3A_230 = arith.constant 0 : i32
        %dma_wait3A_231 = tpu.memref_slice %arg4[%dma_wait3A_218, %dma_wait3A_229, %dma_wait3A_230] : memref<2048x4x2048xf32, #tpu.memory_space<hbm>> -> memref<1x4x2048xf32, #tpu.memory_space<hbm>>
        %dma_wait3A_232 = tpu.memref_squeeze %dma_wait3A_231 : memref<1x4x2048xf32, #tpu.memory_space<hbm>> -> memref<4x2048xf32, #tpu.memory_space<hbm>>
        %dma_wait3A_233 = arith.constant 0 : i32
        %dma_wait3A_234 = arith.constant 0 : i32
        %dma_wait3A_235 = tpu.memref_slice %arg7[%and3A_138, %dma_wait3A_233, %dma_wait3A_234] : memref<4x4x2048xf32, #tpu.memory_space<vmem>> -> memref<1x4x2048xf32, #tpu.memory_space<vmem>>
        %dma_wait3A_236 = tpu.memref_squeeze %dma_wait3A_235 : memref<1x4x2048xf32, #tpu.memory_space<vmem>> -> memref<4x2048xf32, #tpu.memory_space<vmem>>
        tpu.wait_dma2 semaphore(%dma_wait3A_228 : memref<!tpu.dma_semaphore, #tpu.memory_space<semaphore_mem>>) src(%dma_wait3A_236 : memref<4x2048xf32, #tpu.memory_space<vmem>>) dst(%dma_wait3A_232 : memref<4x2048xf32, #tpu.memory_space<hbm>>)
      } else {
      }
      %add3A_141 = arith.constant 0 : i32
      %add3A_142 = arith.addi %add3A_135, %add3A_141 : i32
      %dma_wait3A_143 = arith.constant 0 : i32
      %dma_wait3A_144 = arith.constant 0 : i32
      %dma_wait3A_145 = arith.constant 0 : i32
      %dma_wait3A_146 = arith.constant 0 : i32
      %dma_wait3A_147 = arith.constant 0 : i32
      %dma_wait3A_148 = tpu.memref_slice %arg6[%dma_wait3A_144, %dma_wait3A_146, %dma_wait3A_147] : memref<2x16x2048xf32, #tpu.memory_space<vmem>> -> memref<1x16x2048xf32, #tpu.memory_space<vmem>>
      %dma_wait3A_149 = tpu.memref_squeeze %dma_wait3A_148 : memref<1x16x2048xf32, #tpu.memory_space<vmem>> -> memref<16x2048xf32, #tpu.memory_space<vmem>>
      %dma_wait3A_150 = arith.constant 0 : i32
      %dma_wait3A_151 = tpu.memref_slice %arg5[%dma_wait3A_143, %dma_wait3A_150] : memref<128x16xi32, #tpu.memory_space<vmem>> -> memref<1x16xi32, #tpu.memory_space<vmem>>
      %dma_wait3A_152 = tpu.memref_squeeze %dma_wait3A_151 : memref<1x16xi32, #tpu.memory_space<vmem>> -> memref<16xi32, #tpu.memory_space<vmem>>
      %dma_wait3A_153 = arith.constant 0 : i32
      %dma_wait3A_154 = arith.constant 0 : i32
      %dma_wait3A_155 = tpu.memref_slice %arg2[%dma_wait3A_153, %dma_wait3A_154] : memref<8192x2048xf32, #tpu.memory_space<hbm>> -> memref<8192x2048xf32, #tpu.memory_space<hbm>>
      %dma_wait3A_156 = tpu.memref_slice %arg8[%dma_wait3A_145] : memref<2x!tpu.dma_semaphore, #tpu.memory_space<semaphore_mem>> -> memref<1x!tpu.dma_semaphore, #tpu.memory_space<semaphore_mem>>
      %dma_wait3A_157 = tpu.memref_squeeze %dma_wait3A_156 : memref<1x!tpu.dma_semaphore, #tpu.memory_space<semaphore_mem>> -> memref<!tpu.dma_semaphore, #tpu.memory_space<semaphore_mem>>
      tpu.wait_indirect_dma semaphore(%dma_wait3A_157 : memref<!tpu.dma_semaphore, #tpu.memory_space<semaphore_mem>>) src(%dma_wait3A_155 : memref<8192x2048xf32, #tpu.memory_space<hbm>>) dst(%dma_wait3A_149 : memref<16x2048xf32, #tpu.memory_space<vmem>>)
      %parallel_loop3A = arith.constant 0 : i32
      %parallel_loop3A_158 = arith.constant 2048 : i32
      %parallel_loop3A_159 = arith.constant 16 : i32
      %parallel_loop3A_160 = arith.constant 0 : i32
      scf.for %parallel_loop3A_218 = %parallel_loop3A to %parallel_loop3A_158 step %parallel_loop3A_159  : i32 {
        %parallel_loop3A_219 = arith.constant 0 : i32
        %parallel_loop3A_220 = arith.constant 0 : i32
        %parallel_loop3A_221 = arith.constant 0 : i32
        %parallel_loop3A_222 = tpu.memref_slice %arg6[%parallel_loop3A_160, %parallel_loop3A_220, %parallel_loop3A_221] : memref<2x16x2048xf32, #tpu.memory_space<vmem>> -> memref<1x16x2048xf32, #tpu.memory_space<vmem>>
        %parallel_loop3A_223 = tpu.memref_squeeze %parallel_loop3A_222 : memref<1x16x2048xf32, #tpu.memory_space<vmem>> -> memref<16x2048xf32, #tpu.memory_space<vmem>>
        %parallel_loop3A_224 = arith.index_cast %parallel_loop3A_219 : i32 to index
        %parallel_loop3A_225 = arith.index_cast %parallel_loop3A_218 : i32 to index
        %parallel_loop3A_226 = tpu.vector_load %parallel_loop3A_223[%parallel_loop3A_224, %parallel_loop3A_225] {strides = array<i32>} : memref<16x2048xf32, #tpu.memory_space<vmem>>, vector<1x16xf32>,
        %parallel_loop3A_227 = vector.shape_cast %parallel_loop3A_226 : vector<1x16xf32> to vector<16xf32>
        %parallel_loop3A_228 = arith.constant 1 : i32
        %parallel_loop3A_229 = arith.constant 0 : i32
        %parallel_loop3A_230 = arith.constant 0 : i32
        %parallel_loop3A_231 = tpu.memref_slice %arg6[%parallel_loop3A_160, %parallel_loop3A_229, %parallel_loop3A_230] : memref<2x16x2048xf32, #tpu.memory_space<vmem>> -> memref<1x16x2048xf32, #tpu.memory_space<vmem>>
        %parallel_loop3A_232 = tpu.memref_squeeze %parallel_loop3A_231 : memref<1x16x2048xf32, #tpu.memory_space<vmem>> -> memref<16x2048xf32, #tpu.memory_space<vmem>>
        %parallel_loop3A_233 = arith.index_cast %parallel_loop3A_228 : i32 to index
        %parallel_loop3A_234 = arith.index_cast %parallel_loop3A_218 : i32 to index
        %parallel_loop3A_235 = tpu.vector_load %parallel_loop3A_232[%parallel_loop3A_233, %parallel_loop3A_234] {strides = array<i32>} : memref<16x2048xf32, #tpu.memory_space<vmem>>, vector<1x16xf32>,
        %parallel_loop3A_236 = vector.shape_cast %parallel_loop3A_235 : vector<1x16xf32> to vector<16xf32>
        %parallel_loop3A_237 = arith.constant 2 : i32
        %parallel_loop3A_238 = arith.constant 0 : i32
        %parallel_loop3A_239 = arith.constant 0 : i32
        %parallel_loop3A_240 = tpu.memref_slice %arg6[%parallel_loop3A_160, %parallel_loop3A_238, %parallel_loop3A_239] : memref<2x16x2048xf32, #tpu.memory_space<vmem>> -> memref<1x16x2048xf32, #tpu.memory_space<vmem>>
        %parallel_loop3A_241 = tpu.memref_squeeze %parallel_loop3A_240 : memref<1x16x2048xf32, #tpu.memory_space<vmem>> -> memref<16x2048xf32, #tpu.memory_space<vmem>>
        %parallel_loop3A_242 = arith.index_cast %parallel_loop3A_237 : i32 to index
        %parallel_loop3A_243 = arith.index_cast %parallel_loop3A_218 : i32 to index
        %parallel_loop3A_244 = tpu.vector_load %parallel_loop3A_241[%parallel_loop3A_242, %parallel_loop3A_243] {strides = array<i32>} : memref<16x2048xf32, #tpu.memory_space<vmem>>, vector<1x16xf32>,
        %parallel_loop3A_245 = vector.shape_cast %parallel_loop3A_244 : vector<1x16xf32> to vector<16xf32>
        %parallel_loop3A_246 = arith.constant 3 : i32
        %parallel_loop3A_247 = arith.constant 0 : i32
        %parallel_loop3A_248 = arith.constant 0 : i32
        %parallel_loop3A_249 = tpu.memref_slice %arg6[%parallel_loop3A_160, %parallel_loop3A_247, %parallel_loop3A_248] : memref<2x16x2048xf32, #tpu.memory_space<vmem>> -> memref<1x16x2048xf32, #tpu.memory_space<vmem>>
        %parallel_loop3A_250 = tpu.memref_squeeze %parallel_loop3A_249 : memref<1x16x2048xf32, #tpu.memory_space<vmem>> -> memref<16x2048xf32, #tpu.memory_space<vmem>>
        %parallel_loop3A_251 = arith.index_cast %parallel_loop3A_246 : i32 to index
        %parallel_loop3A_252 = arith.index_cast %parallel_loop3A_218 : i32 to index
        %parallel_loop3A_253 = tpu.vector_load %parallel_loop3A_250[%parallel_loop3A_251, %parallel_loop3A_252] {strides = array<i32>} : memref<16x2048xf32, #tpu.memory_space<vmem>>, vector<1x16xf32>,
        %parallel_loop3A_254 = vector.shape_cast %parallel_loop3A_253 : vector<1x16xf32> to vector<16xf32>
        %parallel_loop3A_255 = arith.constant 4 : i32
        %parallel_loop3A_256 = arith.constant 0 : i32
        %parallel_loop3A_257 = arith.constant 0 : i32
        %parallel_loop3A_258 = tpu.memref_slice %arg6[%parallel_loop3A_160, %parallel_loop3A_256, %parallel_loop3A_257] : memref<2x16x2048xf32, #tpu.memory_space<vmem>> -> memref<1x16x2048xf32, #tpu.memory_space<vmem>>
        %parallel_loop3A_259 = tpu.memref_squeeze %parallel_loop3A_258 : memref<1x16x2048xf32, #tpu.memory_space<vmem>> -> memref<16x2048xf32, #tpu.memory_space<vmem>>
        %parallel_loop3A_260 = arith.index_cast %parallel_loop3A_255 : i32 to index
        %parallel_loop3A_261 = arith.index_cast %parallel_loop3A_218 : i32 to index
        %parallel_loop3A_262 = tpu.vector_load %parallel_loop3A_259[%parallel_loop3A_260, %parallel_loop3A_261] {strides = array<i32>} : memref<16x2048xf32, #tpu.memory_space<vmem>>, vector<1x16xf32>,
        %parallel_loop3A_263 = vector.shape_cast %parallel_loop3A_262 : vector<1x16xf32> to vector<16xf32>
        %parallel_loop3A_264 = arith.constant 5 : i32
        %parallel_loop3A_265 = arith.constant 0 : i32
        %parallel_loop3A_266 = arith.constant 0 : i32
        %parallel_loop3A_267 = tpu.memref_slice %arg6[%parallel_loop3A_160, %parallel_loop3A_265, %parallel_loop3A_266] : memref<2x16x2048xf32, #tpu.memory_space<vmem>> -> memref<1x16x2048xf32, #tpu.memory_space<vmem>>
        %parallel_loop3A_268 = tpu.memref_squeeze %parallel_loop3A_267 : memref<1x16x2048xf32, #tpu.memory_space<vmem>> -> memref<16x2048xf32, #tpu.memory_space<vmem>>
        %parallel_loop3A_269 = arith.index_cast %parallel_loop3A_264 : i32 to index
        %parallel_loop3A_270 = arith.index_cast %parallel_loop3A_218 : i32 to index
        %parallel_loop3A_271 = tpu.vector_load %parallel_loop3A_268[%parallel_loop3A_269, %parallel_loop3A_270] {strides = array<i32>} : memref<16x2048xf32, #tpu.memory_space<vmem>>, vector<1x16xf32>,
        %parallel_loop3A_272 = vector.shape_cast %parallel_loop3A_271 : vector<1x16xf32> to vector<16xf32>
        %parallel_loop3A_273 = arith.constant 6 : i32
        %parallel_loop3A_274 = arith.constant 0 : i32
        %parallel_loop3A_275 = arith.constant 0 : i32
        %parallel_loop3A_276 = tpu.memref_slice %arg6[%parallel_loop3A_160, %parallel_loop3A_274, %parallel_loop3A_275] : memref<2x16x2048xf32, #tpu.memory_space<vmem>> -> memref<1x16x2048xf32, #tpu.memory_space<vmem>>
        %parallel_loop3A_277 = tpu.memref_squeeze %parallel_loop3A_276 : memref<1x16x2048xf32, #tpu.memory_space<vmem>> -> memref<16x2048xf32, #tpu.memory_space<vmem>>
        %parallel_loop3A_278 = arith.index_cast %parallel_loop3A_273 : i32 to index
        %parallel_loop3A_279 = arith.index_cast %parallel_loop3A_218 : i32 to index
        %parallel_loop3A_280 = tpu.vector_load %parallel_loop3A_277[%parallel_loop3A_278, %parallel_loop3A_279] {strides = array<i32>} : memref<16x2048xf32, #tpu.memory_space<vmem>>, vector<1x16xf32>,
        %parallel_loop3A_281 = vector.shape_cast %parallel_loop3A_280 : vector<1x16xf32> to vector<16xf32>
        %parallel_loop3A_282 = arith.constant 7 : i32
        %parallel_loop3A_283 = arith.constant 0 : i32
        %parallel_loop3A_284 = arith.constant 0 : i32
        %parallel_loop3A_285 = tpu.memref_slice %arg6[%parallel_loop3A_160, %parallel_loop3A_283, %parallel_loop3A_284] : memref<2x16x2048xf32, #tpu.memory_space<vmem>> -> memref<1x16x2048xf32, #tpu.memory_space<vmem>>
        %parallel_loop3A_286 = tpu.memref_squeeze %parallel_loop3A_285 : memref<1x16x2048xf32, #tpu.memory_space<vmem>> -> memref<16x2048xf32, #tpu.memory_space<vmem>>
        %parallel_loop3A_287 = arith.index_cast %parallel_loop3A_282 : i32 to index
        %parallel_loop3A_288 = arith.index_cast %parallel_loop3A_218 : i32 to index
        %parallel_loop3A_289 = tpu.vector_load %parallel_loop3A_286[%parallel_loop3A_287, %parallel_loop3A_288] {strides = array<i32>} : memref<16x2048xf32, #tpu.memory_space<vmem>>, vector<1x16xf32>,
        %parallel_loop3A_290 = vector.shape_cast %parallel_loop3A_289 : vector<1x16xf32> to vector<16xf32>
        %parallel_loop3A_291 = arith.addf %parallel_loop3A_227, %parallel_loop3A_236 : vector<16xf32>
        %parallel_loop3A_292 = arith.addf %parallel_loop3A_245, %parallel_loop3A_254 : vector<16xf32>
        %parallel_loop3A_293 = arith.addf %parallel_loop3A_263, %parallel_loop3A_272 : vector<16xf32>
        %parallel_loop3A_294 = arith.addf %parallel_loop3A_281, %parallel_loop3A_290 : vector<16xf32>
        %parallel_loop3A_295 = arith.addf %parallel_loop3A_291, %parallel_loop3A_292 : vector<16xf32>
        %parallel_loop3A_296 = arith.addf %parallel_loop3A_293, %parallel_loop3A_294 : vector<16xf32>
        %parallel_loop3A_297 = arith.addf %parallel_loop3A_295, %parallel_loop3A_296 : vector<16xf32>
        %parallel_loop3A_298 = arith.constant 1.000000e+01 : f32
        %parallel_loop3A_299 = vector.broadcast %parallel_loop3A_298 : f32 to vector<16xf32>
        %parallel_loop3A_300 = arith.mulf %parallel_loop3A_297, %parallel_loop3A_299 : vector<16xf32>
        %parallel_loop3A_301 = arith.constant 0 : i32
        %parallel_loop3A_302 = arith.constant 0 : i32
        %parallel_loop3A_303 = arith.constant 0 : i32
        %parallel_loop3A_304 = tpu.memref_slice %arg7[%and3A_138, %parallel_loop3A_302, %parallel_loop3A_303] : memref<4x4x2048xf32, #tpu.memory_space<vmem>> -> memref<1x4x2048xf32, #tpu.memory_space<vmem>>
        %parallel_loop3A_305 = tpu.memref_squeeze %parallel_loop3A_304 : memref<1x4x2048xf32, #tpu.memory_space<vmem>> -> memref<4x2048xf32, #tpu.memory_space<vmem>>
        %parallel_loop3A_306 = arith.index_cast %parallel_loop3A_301 : i32 to index
        %parallel_loop3A_307 = arith.index_cast %parallel_loop3A_218 : i32 to index
        %parallel_loop3A_308 = tpu.vector_load %parallel_loop3A_305[%parallel_loop3A_306, %parallel_loop3A_307] {strides = array<i32>} : memref<4x2048xf32, #tpu.memory_space<vmem>>, vector<1x16xf32>,
        %parallel_loop3A_309 = vector.shape_cast %parallel_loop3A_308 : vector<1x16xf32> to vector<16xf32>
        %parallel_loop3A_310 = vector.shape_cast %parallel_loop3A_300 : vector<16xf32> to vector<1x16xf32>
        tpu.vector_store %parallel_loop3A_305[%parallel_loop3A_306, %parallel_loop3A_307], %parallel_loop3A_310 {strides = array<i32>} : memref<4x2048xf32, #tpu.memory_space<vmem>>, vector<1x16xf32>,
        %parallel_loop3A_311 = arith.constant 8 : i32
        %parallel_loop3A_312 = arith.constant 0 : i32
        %parallel_loop3A_313 = arith.constant 0 : i32
        %parallel_loop3A_314 = tpu.memref_slice %arg6[%parallel_loop3A_160, %parallel_loop3A_312, %parallel_loop3A_313] : memref<2x16x2048xf32, #tpu.memory_space<vmem>> -> memref<1x16x2048xf32, #tpu.memory_space<vmem>>
        %parallel_loop3A_315 = tpu.memref_squeeze %parallel_loop3A_314 : memref<1x16x2048xf32, #tpu.memory_space<vmem>> -> memref<16x2048xf32, #tpu.memory_space<vmem>>
        %parallel_loop3A_316 = arith.index_cast %parallel_loop3A_311 : i32 to index
        %parallel_loop3A_317 = arith.index_cast %parallel_loop3A_218 : i32 to index
        %parallel_loop3A_318 = tpu.vector_load %parallel_loop3A_315[%parallel_loop3A_316, %parallel_loop3A_317] {strides = array<i32>} : memref<16x2048xf32, #tpu.memory_space<vmem>>, vector<1x16xf32>,
        %parallel_loop3A_319 = vector.shape_cast %parallel_loop3A_318 : vector<1x16xf32> to vector<16xf32>
        %parallel_loop3A_320 = arith.constant 9 : i32
        %parallel_loop3A_321 = arith.constant 0 : i32
        %parallel_loop3A_322 = arith.constant 0 : i32
        %parallel_loop3A_323 = tpu.memref_slice %arg6[%parallel_loop3A_160, %parallel_loop3A_321, %parallel_loop3A_322] : memref<2x16x2048xf32, #tpu.memory_space<vmem>> -> memref<1x16x2048xf32, #tpu.memory_space<vmem>>
        %parallel_loop3A_324 = tpu.memref_squeeze %parallel_loop3A_323 : memref<1x16x2048xf32, #tpu.memory_space<vmem>> -> memref<16x2048xf32, #tpu.memory_space<vmem>>
        %parallel_loop3A_325 = arith.index_cast %parallel_loop3A_320 : i32 to index
        %parallel_loop3A_326 = arith.index_cast %parallel_loop3A_218 : i32 to index
        %parallel_loop3A_327 = tpu.vector_load %parallel_loop3A_324[%parallel_loop3A_325, %parallel_loop3A_326] {strides = array<i32>} : memref<16x2048xf32, #tpu.memory_space<vmem>>, vector<1x16xf32>,
        %parallel_loop3A_328 = vector.shape_cast %parallel_loop3A_327 : vector<1x16xf32> to vector<16xf32>
        %parallel_loop3A_329 = arith.constant 10 : i32
        %parallel_loop3A_330 = arith.constant 0 : i32
        %parallel_loop3A_331 = arith.constant 0 : i32
        %parallel_loop3A_332 = tpu.memref_slice %arg6[%parallel_loop3A_160, %parallel_loop3A_330, %parallel_loop3A_331] : memref<2x16x2048xf32, #tpu.memory_space<vmem>> -> memref<1x16x2048xf32, #tpu.memory_space<vmem>>
        %parallel_loop3A_333 = tpu.memref_squeeze %parallel_loop3A_332 : memref<1x16x2048xf32, #tpu.memory_space<vmem>> -> memref<16x2048xf32, #tpu.memory_space<vmem>>
        %parallel_loop3A_334 = arith.index_cast %parallel_loop3A_329 : i32 to index
        %parallel_loop3A_335 = arith.index_cast %parallel_loop3A_218 : i32 to index
        %parallel_loop3A_336 = tpu.vector_load %parallel_loop3A_333[%parallel_loop3A_334, %parallel_loop3A_335] {strides = array<i32>} : memref<16x2048xf32, #tpu.memory_space<vmem>>, vector<1x16xf32>,
        %parallel_loop3A_337 = vector.shape_cast %parallel_loop3A_336 : vector<1x16xf32> to vector<16xf32>
        %parallel_loop3A_338 = arith.constant 11 : i32
        %parallel_loop3A_339 = arith.constant 0 : i32
        %parallel_loop3A_340 = arith.constant 0 : i32
        %parallel_loop3A_341 = tpu.memref_slice %arg6[%parallel_loop3A_160, %parallel_loop3A_339, %parallel_loop3A_340] : memref<2x16x2048xf32, #tpu.memory_space<vmem>> -> memref<1x16x2048xf32, #tpu.memory_space<vmem>>
        %parallel_loop3A_342 = tpu.memref_squeeze %parallel_loop3A_341 : memref<1x16x2048xf32, #tpu.memory_space<vmem>> -> memref<16x2048xf32, #tpu.memory_space<vmem>>
        %parallel_loop3A_343 = arith.index_cast %parallel_loop3A_338 : i32 to index
        %parallel_loop3A_344 = arith.index_cast %parallel_loop3A_218 : i32 to index
        %parallel_loop3A_345 = tpu.vector_load %parallel_loop3A_342[%parallel_loop3A_343, %parallel_loop3A_344] {strides = array<i32>} : memref<16x2048xf32, #tpu.memory_space<vmem>>, vector<1x16xf32>,
        %parallel_loop3A_346 = vector.shape_cast %parallel_loop3A_345 : vector<1x16xf32> to vector<16xf32>
        %parallel_loop3A_347 = arith.constant 12 : i32
        %parallel_loop3A_348 = arith.constant 0 : i32
        %parallel_loop3A_349 = arith.constant 0 : i32
        %parallel_loop3A_350 = tpu.memref_slice %arg6[%parallel_loop3A_160, %parallel_loop3A_348, %parallel_loop3A_349] : memref<2x16x2048xf32, #tpu.memory_space<vmem>> -> memref<1x16x2048xf32, #tpu.memory_space<vmem>>
        %parallel_loop3A_351 = tpu.memref_squeeze %parallel_loop3A_350 : memref<1x16x2048xf32, #tpu.memory_space<vmem>> -> memref<16x2048xf32, #tpu.memory_space<vmem>>
        %parallel_loop3A_352 = arith.index_cast %parallel_loop3A_347 : i32 to index
        %parallel_loop3A_353 = arith.index_cast %parallel_loop3A_218 : i32 to index
        %parallel_loop3A_354 = tpu.vector_load %parallel_loop3A_351[%parallel_loop3A_352, %parallel_loop3A_353] {strides = array<i32>} : memref<16x2048xf32, #tpu.memory_space<vmem>>, vector<1x16xf32>,
        %parallel_loop3A_355 = vector.shape_cast %parallel_loop3A_354 : vector<1x16xf32> to vector<16xf32>
        %parallel_loop3A_356 = arith.constant 13 : i32
        %parallel_loop3A_357 = arith.constant 0 : i32
        %parallel_loop3A_358 = arith.constant 0 : i32
        %parallel_loop3A_359 = tpu.memref_slice %arg6[%parallel_loop3A_160, %parallel_loop3A_357, %parallel_loop3A_358] : memref<2x16x2048xf32, #tpu.memory_space<vmem>> -> memref<1x16x2048xf32, #tpu.memory_space<vmem>>
        %parallel_loop3A_360 = tpu.memref_squeeze %parallel_loop3A_359 : memref<1x16x2048xf32, #tpu.memory_space<vmem>> -> memref<16x2048xf32, #tpu.memory_space<vmem>>
        %parallel_loop3A_361 = arith.index_cast %parallel_loop3A_356 : i32 to index
        %parallel_loop3A_362 = arith.index_cast %parallel_loop3A_218 : i32 to index
        %parallel_loop3A_363 = tpu.vector_load %parallel_loop3A_360[%parallel_loop3A_361, %parallel_loop3A_362] {strides = array<i32>} : memref<16x2048xf32, #tpu.memory_space<vmem>>, vector<1x16xf32>,
        %parallel_loop3A_364 = vector.shape_cast %parallel_loop3A_363 : vector<1x16xf32> to vector<16xf32>
        %parallel_loop3A_365 = arith.constant 14 : i32
        %parallel_loop3A_366 = arith.constant 0 : i32
        %parallel_loop3A_367 = arith.constant 0 : i32
        %parallel_loop3A_368 = tpu.memref_slice %arg6[%parallel_loop3A_160, %parallel_loop3A_366, %parallel_loop3A_367] : memref<2x16x2048xf32, #tpu.memory_space<vmem>> -> memref<1x16x2048xf32, #tpu.memory_space<vmem>>
        %parallel_loop3A_369 = tpu.memref_squeeze %parallel_loop3A_368 : memref<1x16x2048xf32, #tpu.memory_space<vmem>> -> memref<16x2048xf32, #tpu.memory_space<vmem>>
        %parallel_loop3A_370 = arith.index_cast %parallel_loop3A_365 : i32 to index
        %parallel_loop3A_371 = arith.index_cast %parallel_loop3A_218 : i32 to index
        %parallel_loop3A_372 = tpu.vector_load %parallel_loop3A_369[%parallel_loop3A_370, %parallel_loop3A_371] {strides = array<i32>} : memref<16x2048xf32, #tpu.memory_space<vmem>>, vector<1x16xf32>,
        %parallel_loop3A_373 = vector.shape_cast %parallel_loop3A_372 : vector<1x16xf32> to vector<16xf32>
        %parallel_loop3A_374 = arith.constant 15 : i32
        %parallel_loop3A_375 = arith.constant 0 : i32
        %parallel_loop3A_376 = arith.constant 0 : i32
        %parallel_loop3A_377 = tpu.memref_slice %arg6[%parallel_loop3A_160, %parallel_loop3A_375, %parallel_loop3A_376] : memref<2x16x2048xf32, #tpu.memory_space<vmem>> -> memref<1x16x2048xf32, #tpu.memory_space<vmem>>
        %parallel_loop3A_378 = tpu.memref_squeeze %parallel_loop3A_377 : memref<1x16x2048xf32, #tpu.memory_space<vmem>> -> memref<16x2048xf32, #tpu.memory_space<vmem>>
        %parallel_loop3A_379 = arith.index_cast %parallel_loop3A_374 : i32 to index
        %parallel_loop3A_380 = arith.index_cast %parallel_loop3A_218 : i32 to index
        %parallel_loop3A_381 = tpu.vector_load %parallel_loop3A_378[%parallel_loop3A_379, %parallel_loop3A_380] {strides = array<i32>} : memref<16x2048xf32, #tpu.memory_space<vmem>>, vector<1x16xf32>,
        %parallel_loop3A_382 = vector.shape_cast %parallel_loop3A_381 : vector<1x16xf32> to vector<16xf32>
        %parallel_loop3A_383 = arith.addf %parallel_loop3A_319, %parallel_loop3A_328 : vector<16xf32>
        %parallel_loop3A_384 = arith.addf %parallel_loop3A_337, %parallel_loop3A_346 : vector<16xf32>
        %parallel_loop3A_385 = arith.addf %parallel_loop3A_355, %parallel_loop3A_364 : vector<16xf32>
        %parallel_loop3A_386 = arith.addf %parallel_loop3A_373, %parallel_loop3A_382 : vector<16xf32>
        %parallel_loop3A_387 = arith.addf %parallel_loop3A_383, %parallel_loop3A_384 : vector<16xf32>
        %parallel_loop3A_388 = arith.addf %parallel_loop3A_385, %parallel_loop3A_386 : vector<16xf32>
        %parallel_loop3A_389 = arith.addf %parallel_loop3A_387, %parallel_loop3A_388 : vector<16xf32>
        %parallel_loop3A_390 = arith.constant 1.000000e+01 : f32
        %parallel_loop3A_391 = vector.broadcast %parallel_loop3A_390 : f32 to vector<16xf32>
        %parallel_loop3A_392 = arith.mulf %parallel_loop3A_389, %parallel_loop3A_391 : vector<16xf32>
        %parallel_loop3A_393 = arith.constant 1 : i32
        %parallel_loop3A_394 = arith.constant 0 : i32
        %parallel_loop3A_395 = arith.constant 0 : i32
        %parallel_loop3A_396 = tpu.memref_slice %arg7[%and3A_138, %parallel_loop3A_394, %parallel_loop3A_395] : memref<4x4x2048xf32, #tpu.memory_space<vmem>> -> memref<1x4x2048xf32, #tpu.memory_space<vmem>>
        %parallel_loop3A_397 = tpu.memref_squeeze %parallel_loop3A_396 : memref<1x4x2048xf32, #tpu.memory_space<vmem>> -> memref<4x2048xf32, #tpu.memory_space<vmem>>
        %parallel_loop3A_398 = arith.index_cast %parallel_loop3A_393 : i32 to index
        %parallel_loop3A_399 = arith.index_cast %parallel_loop3A_218 : i32 to index
        %parallel_loop3A_400 = tpu.vector_load %parallel_loop3A_397[%parallel_loop3A_398, %parallel_loop3A_399] {strides = array<i32>} : memref<4x2048xf32, #tpu.memory_space<vmem>>, vector<1x16xf32>,
        %parallel_loop3A_401 = vector.shape_cast %parallel_loop3A_400 : vector<1x16xf32> to vector<16xf32>
        %parallel_loop3A_402 = vector.shape_cast %parallel_loop3A_392 : vector<16xf32> to vector<1x16xf32>
        tpu.vector_store %parallel_loop3A_397[%parallel_loop3A_398, %parallel_loop3A_399], %parallel_loop3A_402 {strides = array<i32>} : memref<4x2048xf32, #tpu.memory_space<vmem>>, vector<1x16xf32>,
      } {sc.loop_unroll_factor = 4 : i64, sc.parallel_access}
      %add3A_161 = arith.constant 2 : i32
      %add3A_162 = arith.addi %add3A_142, %add3A_161 : i32
      %lt3A = arith.constant 128 : i32
      %lt3A_163 = arith.cmpi slt, %add3A_162, %lt3A : i32
      %convert_element_type3A_164 = arith.extui %lt3A_163 : i1 to i32
      %cond3A_165 = arith.constant 0 : i32
      %cond3A_166 = arith.cmpi ne, %convert_element_type3A_164, %cond3A_165 : i32
      scf.if %cond3A_166 {
        %add3A_218 = arith.constant 2 : i32
        %add3A_219 = arith.addi %add3A_142, %add3A_218 : i32
        %dma_start3A_220 = arith.constant 0 : i32
        %dma_start3A_221 = arith.constant 0 : i32
        %dma_start3A_222 = arith.constant 0 : i32
        %dma_start3A_223 = arith.constant 0 : i32
        %dma_start3A_224 = tpu.memref_slice %arg6[%dma_start3A_220, %dma_start3A_222, %dma_start3A_223] : memref<2x16x2048xf32, #tpu.memory_space<vmem>> -> memref<1x16x2048xf32, #tpu.memory_space<vmem>>
        %dma_start3A_225 = tpu.memref_squeeze %dma_start3A_224 : memref<1x16x2048xf32, #tpu.memory_space<vmem>> -> memref<16x2048xf32, #tpu.memory_space<vmem>>
        %dma_start3A_226 = arith.constant 0 : i32
        %dma_start3A_227 = tpu.memref_slice %arg5[%add3A_219, %dma_start3A_226] : memref<128x16xi32, #tpu.memory_space<vmem>> -> memref<1x16xi32, #tpu.memory_space<vmem>>
        %dma_start3A_228 = tpu.memref_squeeze %dma_start3A_227 : memref<1x16xi32, #tpu.memory_space<vmem>> -> memref<16xi32, #tpu.memory_space<vmem>>
        %dma_start3A_229 = arith.constant 0 : i32
        %dma_start3A_230 = arith.constant 0 : i32
        %dma_start3A_231 = tpu.memref_slice %arg2[%dma_start3A_229, %dma_start3A_230] : memref<8192x2048xf32, #tpu.memory_space<hbm>> -> memref<8192x2048xf32, #tpu.memory_space<hbm>>
        %dma_start3A_232 = tpu.memref_slice %arg8[%dma_start3A_221] : memref<2x!tpu.dma_semaphore, #tpu.memory_space<semaphore_mem>> -> memref<1x!tpu.dma_semaphore, #tpu.memory_space<semaphore_mem>>
        %dma_start3A_233 = tpu.memref_squeeze %dma_start3A_232 : memref<1x!tpu.dma_semaphore, #tpu.memory_space<semaphore_mem>> -> memref<!tpu.dma_semaphore, #tpu.memory_space<semaphore_mem>>
        tpu.enqueue_indirect_dma source(%dma_start3A_231 : memref<8192x2048xf32, #tpu.memory_space<hbm>>) target(%dma_start3A_225 : memref<16x2048xf32, #tpu.memory_space<vmem>>) offsets(%dma_start3A_228 : memref<16xi32, #tpu.memory_space<vmem>>) semaphore(%dma_start3A_233 : memref<!tpu.dma_semaphore, #tpu.memory_space<semaphore_mem>>)
      } else {
      }
      %add3A_167 = arith.constant 1 : i32
      %add3A_168 = arith.addi %add3A_135, %add3A_167 : i32
      %dma_wait3A_169 = arith.constant 0 : i32
      %dma_wait3A_170 = arith.constant 1 : i32
      %dma_wait3A_171 = arith.constant 1 : i32
      %dma_wait3A_172 = arith.constant 0 : i32
      %dma_wait3A_173 = arith.constant 0 : i32
      %dma_wait3A_174 = tpu.memref_slice %arg6[%dma_wait3A_170, %dma_wait3A_172, %dma_wait3A_173] : memref<2x16x2048xf32, #tpu.memory_space<vmem>> -> memref<1x16x2048xf32, #tpu.memory_space<vmem>>
      %dma_wait3A_175 = tpu.memref_squeeze %dma_wait3A_174 : memref<1x16x2048xf32, #tpu.memory_space<vmem>> -> memref<16x2048xf32, #tpu.memory_space<vmem>>
      %dma_wait3A_176 = arith.constant 0 : i32
      %dma_wait3A_177 = tpu.memref_slice %arg5[%dma_wait3A_169, %dma_wait3A_176] : memref<128x16xi32, #tpu.memory_space<vmem>> -> memref<1x16xi32, #tpu.memory_space<vmem>>
      %dma_wait3A_178 = tpu.memref_squeeze %dma_wait3A_177 : memref<1x16xi32, #tpu.memory_space<vmem>> -> memref<16xi32, #tpu.memory_space<vmem>>
      %dma_wait3A_179 = arith.constant 0 : i32
      %dma_wait3A_180 = arith.constant 0 : i32
      %dma_wait3A_181 = tpu.memref_slice %arg2[%dma_wait3A_179, %dma_wait3A_180] : memref<8192x2048xf32, #tpu.memory_space<hbm>> -> memref<8192x2048xf32, #tpu.memory_space<hbm>>
      %dma_wait3A_182 = tpu.memref_slice %arg8[%dma_wait3A_171] : memref<2x!tpu.dma_semaphore, #tpu.memory_space<semaphore_mem>> -> memref<1x!tpu.dma_semaphore, #tpu.memory_space<semaphore_mem>>
      %dma_wait3A_183 = tpu.memref_squeeze %dma_wait3A_182 : memref<1x!tpu.dma_semaphore, #tpu.memory_space<semaphore_mem>> -> memref<!tpu.dma_semaphore, #tpu.memory_space<semaphore_mem>>
      tpu.wait_indirect_dma semaphore(%dma_wait3A_183 : memref<!tpu.dma_semaphore, #tpu.memory_space<semaphore_mem>>) src(%dma_wait3A_181 : memref<8192x2048xf32, #tpu.memory_space<hbm>>) dst(%dma_wait3A_175 : memref<16x2048xf32, #tpu.memory_space<vmem>>)
      %parallel_loop3A_184 = arith.constant 0 : i32
      %parallel_loop3A_185 = arith.constant 2048 : i32
      %parallel_loop3A_186 = arith.constant 16 : i32
      %parallel_loop3A_187 = arith.constant 1 : i32
      scf.for %parallel_loop3A_218 = %parallel_loop3A_184 to %parallel_loop3A_185 step %parallel_loop3A_186  : i32 {
        %parallel_loop3A_219 = arith.constant 0 : i32
        %parallel_loop3A_220 = arith.constant 0 : i32
        %parallel_loop3A_221 = arith.constant 0 : i32
        %parallel_loop3A_222 = tpu.memref_slice %arg6[%parallel_loop3A_187, %parallel_loop3A_220, %parallel_loop3A_221] : memref<2x16x2048xf32, #tpu.memory_space<vmem>> -> memref<1x16x2048xf32, #tpu.memory_space<vmem>>
        %parallel_loop3A_223 = tpu.memref_squeeze %parallel_loop3A_222 : memref<1x16x2048xf32, #tpu.memory_space<vmem>> -> memref<16x2048xf32, #tpu.memory_space<vmem>>
        %parallel_loop3A_224 = arith.index_cast %parallel_loop3A_219 : i32 to index
        %parallel_loop3A_225 = arith.index_cast %parallel_loop3A_218 : i32 to index
        %parallel_loop3A_226 = tpu.vector_load %parallel_loop3A_223[%parallel_loop3A_224, %parallel_loop3A_225] {strides = array<i32>} : memref<16x2048xf32, #tpu.memory_space<vmem>>, vector<1x16xf32>,
        %parallel_loop3A_227 = vector.shape_cast %parallel_loop3A_226 : vector<1x16xf32> to vector<16xf32>
        %parallel_loop3A_228 = arith.constant 1 : i32
        %parallel_loop3A_229 = arith.constant 0 : i32
        %parallel_loop3A_230 = arith.constant 0 : i32
        %parallel_loop3A_231 = tpu.memref_slice %arg6[%parallel_loop3A_187, %parallel_loop3A_229, %parallel_loop3A_230] : memref<2x16x2048xf32, #tpu.memory_space<vmem>> -> memref<1x16x2048xf32, #tpu.memory_space<vmem>>
        %parallel_loop3A_232 = tpu.memref_squeeze %parallel_loop3A_231 : memref<1x16x2048xf32, #tpu.memory_space<vmem>> -> memref<16x2048xf32, #tpu.memory_space<vmem>>
        %parallel_loop3A_233 = arith.index_cast %parallel_loop3A_228 : i32 to index
        %parallel_loop3A_234 = arith.index_cast %parallel_loop3A_218 : i32 to index
        %parallel_loop3A_235 = tpu.vector_load %parallel_loop3A_232[%parallel_loop3A_233, %parallel_loop3A_234] {strides = array<i32>} : memref<16x2048xf32, #tpu.memory_space<vmem>>, vector<1x16xf32>,
        %parallel_loop3A_236 = vector.shape_cast %parallel_loop3A_235 : vector<1x16xf32> to vector<16xf32>
        %parallel_loop3A_237 = arith.constant 2 : i32
        %parallel_loop3A_238 = arith.constant 0 : i32
        %parallel_loop3A_239 = arith.constant 0 : i32
        %parallel_loop3A_240 = tpu.memref_slice %arg6[%parallel_loop3A_187, %parallel_loop3A_238, %parallel_loop3A_239] : memref<2x16x2048xf32, #tpu.memory_space<vmem>> -> memref<1x16x2048xf32, #tpu.memory_space<vmem>>
        %parallel_loop3A_241 = tpu.memref_squeeze %parallel_loop3A_240 : memref<1x16x2048xf32, #tpu.memory_space<vmem>> -> memref<16x2048xf32, #tpu.memory_space<vmem>>
        %parallel_loop3A_242 = arith.index_cast %parallel_loop3A_237 : i32 to index
        %parallel_loop3A_243 = arith.index_cast %parallel_loop3A_218 : i32 to index
        %parallel_loop3A_244 = tpu.vector_load %parallel_loop3A_241[%parallel_loop3A_242, %parallel_loop3A_243] {strides = array<i32>} : memref<16x2048xf32, #tpu.memory_space<vmem>>, vector<1x16xf32>,
        %parallel_loop3A_245 = vector.shape_cast %parallel_loop3A_244 : vector<1x16xf32> to vector<16xf32>
        %parallel_loop3A_246 = arith.constant 3 : i32
        %parallel_loop3A_247 = arith.constant 0 : i32
        %parallel_loop3A_248 = arith.constant 0 : i32
        %parallel_loop3A_249 = tpu.memref_slice %arg6[%parallel_loop3A_187, %parallel_loop3A_247, %parallel_loop3A_248] : memref<2x16x2048xf32, #tpu.memory_space<vmem>> -> memref<1x16x2048xf32, #tpu.memory_space<vmem>>
        %parallel_loop3A_250 = tpu.memref_squeeze %parallel_loop3A_249 : memref<1x16x2048xf32, #tpu.memory_space<vmem>> -> memref<16x2048xf32, #tpu.memory_space<vmem>>
        %parallel_loop3A_251 = arith.index_cast %parallel_loop3A_246 : i32 to index
        %parallel_loop3A_252 = arith.index_cast %parallel_loop3A_218 : i32 to index
        %parallel_loop3A_253 = tpu.vector_load %parallel_loop3A_250[%parallel_loop3A_251, %parallel_loop3A_252] {strides = array<i32>} : memref<16x2048xf32, #tpu.memory_space<vmem>>, vector<1x16xf32>,
        %parallel_loop3A_254 = vector.shape_cast %parallel_loop3A_253 : vector<1x16xf32> to vector<16xf32>
        %parallel_loop3A_255 = arith.constant 4 : i32
        %parallel_loop3A_256 = arith.constant 0 : i32
        %parallel_loop3A_257 = arith.constant 0 : i32
        %parallel_loop3A_258 = tpu.memref_slice %arg6[%parallel_loop3A_187, %parallel_loop3A_256, %parallel_loop3A_257] : memref<2x16x2048xf32, #tpu.memory_space<vmem>> -> memref<1x16x2048xf32, #tpu.memory_space<vmem>>
        %parallel_loop3A_259 = tpu.memref_squeeze %parallel_loop3A_258 : memref<1x16x2048xf32, #tpu.memory_space<vmem>> -> memref<16x2048xf32, #tpu.memory_space<vmem>>
        %parallel_loop3A_260 = arith.index_cast %parallel_loop3A_255 : i32 to index
        %parallel_loop3A_261 = arith.index_cast %parallel_loop3A_218 : i32 to index
        %parallel_loop3A_262 = tpu.vector_load %parallel_loop3A_259[%parallel_loop3A_260, %parallel_loop3A_261] {strides = array<i32>} : memref<16x2048xf32, #tpu.memory_space<vmem>>, vector<1x16xf32>,
        %parallel_loop3A_263 = vector.shape_cast %parallel_loop3A_262 : vector<1x16xf32> to vector<16xf32>
        %parallel_loop3A_264 = arith.constant 5 : i32
        %parallel_loop3A_265 = arith.constant 0 : i32
        %parallel_loop3A_266 = arith.constant 0 : i32
        %parallel_loop3A_267 = tpu.memref_slice %arg6[%parallel_loop3A_187, %parallel_loop3A_265, %parallel_loop3A_266] : memref<2x16x2048xf32, #tpu.memory_space<vmem>> -> memref<1x16x2048xf32, #tpu.memory_space<vmem>>
        %parallel_loop3A_268 = tpu.memref_squeeze %parallel_loop3A_267 : memref<1x16x2048xf32, #tpu.memory_space<vmem>> -> memref<16x2048xf32, #tpu.memory_space<vmem>>
        %parallel_loop3A_269 = arith.index_cast %parallel_loop3A_264 : i32 to index
        %parallel_loop3A_270 = arith.index_cast %parallel_loop3A_218 : i32 to index
        %parallel_loop3A_271 = tpu.vector_load %parallel_loop3A_268[%parallel_loop3A_269, %parallel_loop3A_270] {strides = array<i32>} : memref<16x2048xf32, #tpu.memory_space<vmem>>, vector<1x16xf32>,
        %parallel_loop3A_272 = vector.shape_cast %parallel_loop3A_271 : vector<1x16xf32> to vector<16xf32>
        %parallel_loop3A_273 = arith.constant 6 : i32
        %parallel_loop3A_274 = arith.constant 0 : i32
        %parallel_loop3A_275 = arith.constant 0 : i32
        %parallel_loop3A_276 = tpu.memref_slice %arg6[%parallel_loop3A_187, %parallel_loop3A_274, %parallel_loop3A_275] : memref<2x16x2048xf32, #tpu.memory_space<vmem>> -> memref<1x16x2048xf32, #tpu.memory_space<vmem>>
        %parallel_loop3A_277 = tpu.memref_squeeze %parallel_loop3A_276 : memref<1x16x2048xf32, #tpu.memory_space<vmem>> -> memref<16x2048xf32, #tpu.memory_space<vmem>>
        %parallel_loop3A_278 = arith.index_cast %parallel_loop3A_273 : i32 to index
        %parallel_loop3A_279 = arith.index_cast %parallel_loop3A_218 : i32 to index
        %parallel_loop3A_280 = tpu.vector_load %parallel_loop3A_277[%parallel_loop3A_278, %parallel_loop3A_279] {strides = array<i32>} : memref<16x2048xf32, #tpu.memory_space<vmem>>, vector<1x16xf32>,
        %parallel_loop3A_281 = vector.shape_cast %parallel_loop3A_280 : vector<1x16xf32> to vector<16xf32>
        %parallel_loop3A_282 = arith.constant 7 : i32
        %parallel_loop3A_283 = arith.constant 0 : i32
        %parallel_loop3A_284 = arith.constant 0 : i32
        %parallel_loop3A_285 = tpu.memref_slice %arg6[%parallel_loop3A_187, %parallel_loop3A_283, %parallel_loop3A_284] : memref<2x16x2048xf32, #tpu.memory_space<vmem>> -> memref<1x16x2048xf32, #tpu.memory_space<vmem>>
        %parallel_loop3A_286 = tpu.memref_squeeze %parallel_loop3A_285 : memref<1x16x2048xf32, #tpu.memory_space<vmem>> -> memref<16x2048xf32, #tpu.memory_space<vmem>>
        %parallel_loop3A_287 = arith.index_cast %parallel_loop3A_282 : i32 to index
        %parallel_loop3A_288 = arith.index_cast %parallel_loop3A_218 : i32 to index
        %parallel_loop3A_289 = tpu.vector_load %parallel_loop3A_286[%parallel_loop3A_287, %parallel_loop3A_288] {strides = array<i32>} : memref<16x2048xf32, #tpu.memory_space<vmem>>, vector<1x16xf32>,
        %parallel_loop3A_290 = vector.shape_cast %parallel_loop3A_289 : vector<1x16xf32> to vector<16xf32>
        %parallel_loop3A_291 = arith.addf %parallel_loop3A_227, %parallel_loop3A_236 : vector<16xf32>
        %parallel_loop3A_292 = arith.addf %parallel_loop3A_245, %parallel_loop3A_254 : vector<16xf32>
        %parallel_loop3A_293 = arith.addf %parallel_loop3A_263, %parallel_loop3A_272 : vector<16xf32>
        %parallel_loop3A_294 = arith.addf %parallel_loop3A_281, %parallel_loop3A_290 : vector<16xf32>
        %parallel_loop3A_295 = arith.addf %parallel_loop3A_291, %parallel_loop3A_292 : vector<16xf32>
        %parallel_loop3A_296 = arith.addf %parallel_loop3A_293, %parallel_loop3A_294 : vector<16xf32>
        %parallel_loop3A_297 = arith.addf %parallel_loop3A_295, %parallel_loop3A_296 : vector<16xf32>
        %parallel_loop3A_298 = arith.constant 1.000000e+01 : f32
        %parallel_loop3A_299 = vector.broadcast %parallel_loop3A_298 : f32 to vector<16xf32>
        %parallel_loop3A_300 = arith.mulf %parallel_loop3A_297, %parallel_loop3A_299 : vector<16xf32>
        %parallel_loop3A_301 = arith.constant 2 : i32
        %parallel_loop3A_302 = arith.constant 0 : i32
        %parallel_loop3A_303 = arith.constant 0 : i32
        %parallel_loop3A_304 = tpu.memref_slice %arg7[%and3A_138, %parallel_loop3A_302, %parallel_loop3A_303] : memref<4x4x2048xf32, #tpu.memory_space<vmem>> -> memref<1x4x2048xf32, #tpu.memory_space<vmem>>
        %parallel_loop3A_305 = tpu.memref_squeeze %parallel_loop3A_304 : memref<1x4x2048xf32, #tpu.memory_space<vmem>> -> memref<4x2048xf32, #tpu.memory_space<vmem>>
        %parallel_loop3A_306 = arith.index_cast %parallel_loop3A_301 : i32 to index
        %parallel_loop3A_307 = arith.index_cast %parallel_loop3A_218 : i32 to index
        %parallel_loop3A_308 = tpu.vector_load %parallel_loop3A_305[%parallel_loop3A_306, %parallel_loop3A_307] {strides = array<i32>} : memref<4x2048xf32, #tpu.memory_space<vmem>>, vector<1x16xf32>,
        %parallel_loop3A_309 = vector.shape_cast %parallel_loop3A_308 : vector<1x16xf32> to vector<16xf32>
        %parallel_loop3A_310 = vector.shape_cast %parallel_loop3A_300 : vector<16xf32> to vector<1x16xf32>
        tpu.vector_store %parallel_loop3A_305[%parallel_loop3A_306, %parallel_loop3A_307], %parallel_loop3A_310 {strides = array<i32>} : memref<4x2048xf32, #tpu.memory_space<vmem>>, vector<1x16xf32>,
        %parallel_loop3A_311 = arith.constant 8 : i32
        %parallel_loop3A_312 = arith.constant 0 : i32
        %parallel_loop3A_313 = arith.constant 0 : i32
        %parallel_loop3A_314 = tpu.memref_slice %arg6[%parallel_loop3A_187, %parallel_loop3A_312, %parallel_loop3A_313] : memref<2x16x2048xf32, #tpu.memory_space<vmem>> -> memref<1x16x2048xf32, #tpu.memory_space<vmem>>
        %parallel_loop3A_315 = tpu.memref_squeeze %parallel_loop3A_314 : memref<1x16x2048xf32, #tpu.memory_space<vmem>> -> memref<16x2048xf32, #tpu.memory_space<vmem>>
        %parallel_loop3A_316 = arith.index_cast %parallel_loop3A_311 : i32 to index
        %parallel_loop3A_317 = arith.index_cast %parallel_loop3A_218 : i32 to index
        %parallel_loop3A_318 = tpu.vector_load %parallel_loop3A_315[%parallel_loop3A_316, %parallel_loop3A_317] {strides = array<i32>} : memref<16x2048xf32, #tpu.memory_space<vmem>>, vector<1x16xf32>,
        %parallel_loop3A_319 = vector.shape_cast %parallel_loop3A_318 : vector<1x16xf32> to vector<16xf32>
        %parallel_loop3A_320 = arith.constant 9 : i32
        %parallel_loop3A_321 = arith.constant 0 : i32
        %parallel_loop3A_322 = arith.constant 0 : i32
        %parallel_loop3A_323 = tpu.memref_slice %arg6[%parallel_loop3A_187, %parallel_loop3A_321, %parallel_loop3A_322] : memref<2x16x2048xf32, #tpu.memory_space<vmem>> -> memref<1x16x2048xf32, #tpu.memory_space<vmem>>
        %parallel_loop3A_324 = tpu.memref_squeeze %parallel_loop3A_323 : memref<1x16x2048xf32, #tpu.memory_space<vmem>> -> memref<16x2048xf32, #tpu.memory_space<vmem>>
        %parallel_loop3A_325 = arith.index_cast %parallel_loop3A_320 : i32 to index
        %parallel_loop3A_326 = arith.index_cast %parallel_loop3A_218 : i32 to index
        %parallel_loop3A_327 = tpu.vector_load %parallel_loop3A_324[%parallel_loop3A_325, %parallel_loop3A_326] {strides = array<i32>} : memref<16x2048xf32, #tpu.memory_space<vmem>>, vector<1x16xf32>,
        %parallel_loop3A_328 = vector.shape_cast %parallel_loop3A_327 : vector<1x16xf32> to vector<16xf32>
        %parallel_loop3A_329 = arith.constant 10 : i32
        %parallel_loop3A_330 = arith.constant 0 : i32
        %parallel_loop3A_331 = arith.constant 0 : i32
        %parallel_loop3A_332 = tpu.memref_slice %arg6[%parallel_loop3A_187, %parallel_loop3A_330, %parallel_loop3A_331] : memref<2x16x2048xf32, #tpu.memory_space<vmem>> -> memref<1x16x2048xf32, #tpu.memory_space<vmem>>
        %parallel_loop3A_333 = tpu.memref_squeeze %parallel_loop3A_332 : memref<1x16x2048xf32, #tpu.memory_space<vmem>> -> memref<16x2048xf32, #tpu.memory_space<vmem>>
        %parallel_loop3A_334 = arith.index_cast %parallel_loop3A_329 : i32 to index
        %parallel_loop3A_335 = arith.index_cast %parallel_loop3A_218 : i32 to index
        %parallel_loop3A_336 = tpu.vector_load %parallel_loop3A_333[%parallel_loop3A_334, %parallel_loop3A_335] {strides = array<i32>} : memref<16x2048xf32, #tpu.memory_space<vmem>>, vector<1x16xf32>,
        %parallel_loop3A_337 = vector.shape_cast %parallel_loop3A_336 : vector<1x16xf32> to vector<16xf32>
        %parallel_loop3A_338 = arith.constant 11 : i32
        %parallel_loop3A_339 = arith.constant 0 : i32
        %parallel_loop3A_340 = arith.constant 0 : i32
        %parallel_loop3A_341 = tpu.memref_slice %arg6[%parallel_loop3A_187, %parallel_loop3A_339, %parallel_loop3A_340] : memref<2x16x2048xf32, #tpu.memory_space<vmem>> -> memref<1x16x2048xf32, #tpu.memory_space<vmem>>
        %parallel_loop3A_342 = tpu.memref_squeeze %parallel_loop3A_341 : memref<1x16x2048xf32, #tpu.memory_space<vmem>> -> memref<16x2048xf32, #tpu.memory_space<vmem>>
        %parallel_loop3A_343 = arith.index_cast %parallel_loop3A_338 : i32 to index
        %parallel_loop3A_344 = arith.index_cast %parallel_loop3A_218 : i32 to index
        %parallel_loop3A_345 = tpu.vector_load %parallel_loop3A_342[%parallel_loop3A_343, %parallel_loop3A_344] {strides = array<i32>} : memref<16x2048xf32, #tpu.memory_space<vmem>>, vector<1x16xf32>,
        %parallel_loop3A_346 = vector.shape_cast %parallel_loop3A_345 : vector<1x16xf32> to vector<16xf32>
        %parallel_loop3A_347 = arith.constant 12 : i32
        %parallel_loop3A_348 = arith.constant 0 : i32
        %parallel_loop3A_349 = arith.constant 0 : i32
        %parallel_loop3A_350 = tpu.memref_slice %arg6[%parallel_loop3A_187, %parallel_loop3A_348, %parallel_loop3A_349] : memref<2x16x2048xf32, #tpu.memory_space<vmem>> -> memref<1x16x2048xf32, #tpu.memory_space<vmem>>
        %parallel_loop3A_351 = tpu.memref_squeeze %parallel_loop3A_350 : memref<1x16x2048xf32, #tpu.memory_space<vmem>> -> memref<16x2048xf32, #tpu.memory_space<vmem>>
        %parallel_loop3A_352 = arith.index_cast %parallel_loop3A_347 : i32 to index
        %parallel_loop3A_353 = arith.index_cast %parallel_loop3A_218 : i32 to index
        %parallel_loop3A_354 = tpu.vector_load %parallel_loop3A_351[%parallel_loop3A_352, %parallel_loop3A_353] {strides = array<i32>} : memref<16x2048xf32, #tpu.memory_space<vmem>>, vector<1x16xf32>,
        %parallel_loop3A_355 = vector.shape_cast %parallel_loop3A_354 : vector<1x16xf32> to vector<16xf32>
        %parallel_loop3A_356 = arith.constant 13 : i32
        %parallel_loop3A_357 = arith.constant 0 : i32
        %parallel_loop3A_358 = arith.constant 0 : i32
        %parallel_loop3A_359 = tpu.memref_slice %arg6[%parallel_loop3A_187, %parallel_loop3A_357, %parallel_loop3A_358] : memref<2x16x2048xf32, #tpu.memory_space<vmem>> -> memref<1x16x2048xf32, #tpu.memory_space<vmem>>
        %parallel_loop3A_360 = tpu.memref_squeeze %parallel_loop3A_359 : memref<1x16x2048xf32, #tpu.memory_space<vmem>> -> memref<16x2048xf32, #tpu.memory_space<vmem>>
        %parallel_loop3A_361 = arith.index_cast %parallel_loop3A_356 : i32 to index
        %parallel_loop3A_362 = arith.index_cast %parallel_loop3A_218 : i32 to index
        %parallel_loop3A_363 = tpu.vector_load %parallel_loop3A_360[%parallel_loop3A_361, %parallel_loop3A_362] {strides = array<i32>} : memref<16x2048xf32, #tpu.memory_space<vmem>>, vector<1x16xf32>,
        %parallel_loop3A_364 = vector.shape_cast %parallel_loop3A_363 : vector<1x16xf32> to vector<16xf32>
        %parallel_loop3A_365 = arith.constant 14 : i32
        %parallel_loop3A_366 = arith.constant 0 : i32
        %parallel_loop3A_367 = arith.constant 0 : i32
        %parallel_loop3A_368 = tpu.memref_slice %arg6[%parallel_loop3A_187, %parallel_loop3A_366, %parallel_loop3A_367] : memref<2x16x2048xf32, #tpu.memory_space<vmem>> -> memref<1x16x2048xf32, #tpu.memory_space<vmem>>
        %parallel_loop3A_369 = tpu.memref_squeeze %parallel_loop3A_368 : memref<1x16x2048xf32, #tpu.memory_space<vmem>> -> memref<16x2048xf32, #tpu.memory_space<vmem>>
        %parallel_loop3A_370 = arith.index_cast %parallel_loop3A_365 : i32 to index
        %parallel_loop3A_371 = arith.index_cast %parallel_loop3A_218 : i32 to index
        %parallel_loop3A_372 = tpu.vector_load %parallel_loop3A_369[%parallel_loop3A_370, %parallel_loop3A_371] {strides = array<i32>} : memref<16x2048xf32, #tpu.memory_space<vmem>>, vector<1x16xf32>,
        %parallel_loop3A_373 = vector.shape_cast %parallel_loop3A_372 : vector<1x16xf32> to vector<16xf32>
        %parallel_loop3A_374 = arith.constant 15 : i32
        %parallel_loop3A_375 = arith.constant 0 : i32
        %parallel_loop3A_376 = arith.constant 0 : i32
        %parallel_loop3A_377 = tpu.memref_slice %arg6[%parallel_loop3A_187, %parallel_loop3A_375, %parallel_loop3A_376] : memref<2x16x2048xf32, #tpu.memory_space<vmem>> -> memref<1x16x2048xf32, #tpu.memory_space<vmem>>
        %parallel_loop3A_378 = tpu.memref_squeeze %parallel_loop3A_377 : memref<1x16x2048xf32, #tpu.memory_space<vmem>> -> memref<16x2048xf32, #tpu.memory_space<vmem>>
        %parallel_loop3A_379 = arith.index_cast %parallel_loop3A_374 : i32 to index
        %parallel_loop3A_380 = arith.index_cast %parallel_loop3A_218 : i32 to index
        %parallel_loop3A_381 = tpu.vector_load %parallel_loop3A_378[%parallel_loop3A_379, %parallel_loop3A_380] {strides = array<i32>} : memref<16x2048xf32, #tpu.memory_space<vmem>>, vector<1x16xf32>,
        %parallel_loop3A_382 = vector.shape_cast %parallel_loop3A_381 : vector<1x16xf32> to vector<16xf32>
        %parallel_loop3A_383 = arith.addf %parallel_loop3A_319, %parallel_loop3A_328 : vector<16xf32>
        %parallel_loop3A_384 = arith.addf %parallel_loop3A_337, %parallel_loop3A_346 : vector<16xf32>
        %parallel_loop3A_385 = arith.addf %parallel_loop3A_355, %parallel_loop3A_364 : vector<16xf32>
        %parallel_loop3A_386 = arith.addf %parallel_loop3A_373, %parallel_loop3A_382 : vector<16xf32>
        %parallel_loop3A_387 = arith.addf %parallel_loop3A_383, %parallel_loop3A_384 : vector<16xf32>
        %parallel_loop3A_388 = arith.addf %parallel_loop3A_385, %parallel_loop3A_386 : vector<16xf32>
        %parallel_loop3A_389 = arith.addf %parallel_loop3A_387, %parallel_loop3A_388 : vector<16xf32>
        %parallel_loop3A_390 = arith.constant 1.000000e+01 : f32
        %parallel_loop3A_391 = vector.broadcast %parallel_loop3A_390 : f32 to vector<16xf32>
        %parallel_loop3A_392 = arith.mulf %parallel_loop3A_389, %parallel_loop3A_391 : vector<16xf32>
        %parallel_loop3A_393 = arith.constant 3 : i32
        %parallel_loop3A_394 = arith.constant 0 : i32
        %parallel_loop3A_395 = arith.constant 0 : i32
        %parallel_loop3A_396 = tpu.memref_slice %arg7[%and3A_138, %parallel_loop3A_394, %parallel_loop3A_395] : memref<4x4x2048xf32, #tpu.memory_space<vmem>> -> memref<1x4x2048xf32, #tpu.memory_space<vmem>>
        %parallel_loop3A_397 = tpu.memref_squeeze %parallel_loop3A_396 : memref<1x4x2048xf32, #tpu.memory_space<vmem>> -> memref<4x2048xf32, #tpu.memory_space<vmem>>
        %parallel_loop3A_398 = arith.index_cast %parallel_loop3A_393 : i32 to index
        %parallel_loop3A_399 = arith.index_cast %parallel_loop3A_218 : i32 to index
        %parallel_loop3A_400 = tpu.vector_load %parallel_loop3A_397[%parallel_loop3A_398, %parallel_loop3A_399] {strides = array<i32>} : memref<4x2048xf32, #tpu.memory_space<vmem>>, vector<1x16xf32>,
        %parallel_loop3A_401 = vector.shape_cast %parallel_loop3A_400 : vector<1x16xf32> to vector<16xf32>
        %parallel_loop3A_402 = vector.shape_cast %parallel_loop3A_392 : vector<16xf32> to vector<1x16xf32>
        tpu.vector_store %parallel_loop3A_397[%parallel_loop3A_398, %parallel_loop3A_399], %parallel_loop3A_402 {strides = array<i32>} : memref<4x2048xf32, #tpu.memory_space<vmem>>, vector<1x16xf32>,
      } {sc.loop_unroll_factor = 4 : i64, sc.parallel_access}
      %add3A_188 = arith.constant 2 : i32
      %add3A_189 = arith.addi %add3A_168, %add3A_188 : i32
      %lt3A_190 = arith.constant 128 : i32
      %lt3A_191 = arith.cmpi slt, %add3A_189, %lt3A_190 : i32
      %convert_element_type3A_192 = arith.extui %lt3A_191 : i1 to i32
      %cond3A_193 = arith.constant 0 : i32
      %cond3A_194 = arith.cmpi ne, %convert_element_type3A_192, %cond3A_193 : i32
      scf.if %cond3A_194 {
        %add3A_218 = arith.constant 2 : i32
        %add3A_219 = arith.addi %add3A_168, %add3A_218 : i32
        %dma_start3A_220 = arith.constant 1 : i32
        %dma_start3A_221 = arith.constant 1 : i32
        %dma_start3A_222 = arith.constant 0 : i32
        %dma_start3A_223 = arith.constant 0 : i32
        %dma_start3A_224 = tpu.memref_slice %arg6[%dma_start3A_220, %dma_start3A_222, %dma_start3A_223] : memref<2x16x2048xf32, #tpu.memory_space<vmem>> -> memref<1x16x2048xf32, #tpu.memory_space<vmem>>
        %dma_start3A_225 = tpu.memref_squeeze %dma_start3A_224 : memref<1x16x2048xf32, #tpu.memory_space<vmem>> -> memref<16x2048xf32, #tpu.memory_space<vmem>>
        %dma_start3A_226 = arith.constant 0 : i32
        %dma_start3A_227 = tpu.memref_slice %arg5[%add3A_219, %dma_start3A_226] : memref<128x16xi32, #tpu.memory_space<vmem>> -> memref<1x16xi32, #tpu.memory_space<vmem>>
        %dma_start3A_228 = tpu.memref_squeeze %dma_start3A_227 : memref<1x16xi32, #tpu.memory_space<vmem>> -> memref<16xi32, #tpu.memory_space<vmem>>
        %dma_start3A_229 = arith.constant 0 : i32
        %dma_start3A_230 = arith.constant 0 : i32
        %dma_start3A_231 = tpu.memref_slice %arg2[%dma_start3A_229, %dma_start3A_230] : memref<8192x2048xf32, #tpu.memory_space<hbm>> -> memref<8192x2048xf32, #tpu.memory_space<hbm>>
        %dma_start3A_232 = tpu.memref_slice %arg8[%dma_start3A_221] : memref<2x!tpu.dma_semaphore, #tpu.memory_space<semaphore_mem>> -> memref<1x!tpu.dma_semaphore, #tpu.memory_space<semaphore_mem>>
        %dma_start3A_233 = tpu.memref_squeeze %dma_start3A_232 : memref<1x!tpu.dma_semaphore, #tpu.memory_space<semaphore_mem>> -> memref<!tpu.dma_semaphore, #tpu.memory_space<semaphore_mem>>
        tpu.enqueue_indirect_dma source(%dma_start3A_231 : memref<8192x2048xf32, #tpu.memory_space<hbm>>) target(%dma_start3A_225 : memref<16x2048xf32, #tpu.memory_space<vmem>>) offsets(%dma_start3A_228 : memref<16xi32, #tpu.memory_space<vmem>>) semaphore(%dma_start3A_233 : memref<!tpu.dma_semaphore, #tpu.memory_space<semaphore_mem>>)
      } else {
      }
      %mul3A_195 = arith.constant 2 : i32
      %mul3A_196 = arith.muli %add3A_135, %mul3A_195 : i32
      %add3A_197 = arith.addi %mul3A_4, %mul3A_196 : i32
      %shift_right_logical3A_198 = arith.constant 2 : i32
      %shift_right_logical3A_199 = arith.shrui %add3A_197, %shift_right_logical3A_198 : i32
      %dma_start3A_200 = arith.constant 0 : i32
      %dma_start3A_201 = arith.constant 0 : i32
      %dma_start3A_202 = tpu.memref_slice %arg7[%and3A_138, %dma_start3A_200, %dma_start3A_201] : memref<4x4x2048xf32, #tpu.memory_space<vmem>> -> memref<1x4x2048xf32, #tpu.memory_space<vmem>>
      %dma_start3A_203 = tpu.memref_squeeze %dma_start3A_202 : memref<1x4x2048xf32, #tpu.memory_space<vmem>> -> memref<4x2048xf32, #tpu.memory_space<vmem>>
      %dma_start3A_204 = arith.constant 0 : i32
      %dma_start3A_205 = arith.constant 0 : i32
      %dma_start3A_206 = tpu.memref_slice %arg4[%shift_right_logical3A_199, %dma_start3A_204, %dma_start3A_205] : memref<2048x4x2048xf32, #tpu.memory_space<hbm>> -> memref<1x4x2048xf32, #tpu.memory_space<hbm>>
      %dma_start3A_207 = tpu.memref_squeeze %dma_start3A_206 : memref<1x4x2048xf32, #tpu.memory_space<hbm>> -> memref<4x2048xf32, #tpu.memory_space<hbm>>
      %dma_start3A_208 = tpu.memref_slice %arg9[%and3A_138] : memref<4x!tpu.dma_semaphore, #tpu.memory_space<semaphore_mem>> -> memref<1x!tpu.dma_semaphore, #tpu.memory_space<semaphore_mem>>
      %dma_start3A_209 = tpu.memref_squeeze %dma_start3A_208 : memref<1x!tpu.dma_semaphore, #tpu.memory_space<semaphore_mem>> -> memref<!tpu.dma_semaphore, #tpu.memory_space<semaphore_mem>>
      %dma_start3A_210 = arith.constant 0 : i32
      %dma_start3A_211 = arith.constant 0 : i32
      %dma_start3A_212 = tpu.memref_slice %arg4[%shift_right_logical3A_199, %dma_start3A_210, %dma_start3A_211] : memref<2048x4x2048xf32, #tpu.memory_space<hbm>> -> memref<1x4x2048xf32, #tpu.memory_space<hbm>>
      %dma_start3A_213 = tpu.memref_squeeze %dma_start3A_212 : memref<1x4x2048xf32, #tpu.memory_space<hbm>> -> memref<4x2048xf32, #tpu.memory_space<hbm>>
      %dma_start3A_214 = arith.constant 0 : i32
      %dma_start3A_215 = arith.constant 0 : i32
      %dma_start3A_216 = tpu.memref_slice %arg7[%and3A_138, %dma_start3A_214, %dma_start3A_215] : memref<4x4x2048xf32, #tpu.memory_space<vmem>> -> memref<1x4x2048xf32, #tpu.memory_space<vmem>>
      %dma_start3A_217 = tpu.memref_squeeze %dma_start3A_216 : memref<1x4x2048xf32, #tpu.memory_space<vmem>> -> memref<4x2048xf32, #tpu.memory_space<vmem>>
      tpu.enqueue_dma source(%dma_start3A_217 : memref<4x2048xf32, #tpu.memory_space<vmem>>) target(%dma_start3A_213 : memref<4x2048xf32, #tpu.memory_space<hbm>>) target_semaphore(%dma_start3A_209 : memref<!tpu.dma_semaphore, #tpu.memory_space<semaphore_mem>>)
    }
    %scan3A_47 = arith.constant 64 : i32
    %dma_wait3A = arith.constant 0 : i32
    %dma_wait3A_48 = arith.constant 0 : i32
    %dma_wait3A_49 = arith.constant 0 : i32
    %dma_wait3A_50 = arith.constant 0 : i32
    %dma_wait3A_51 = arith.constant 0 : i32
    %dma_wait3A_52 = tpu.memref_slice %arg7[%dma_wait3A, %dma_wait3A_50, %dma_wait3A_51] : memref<4x4x2048xf32, #tpu.memory_space<vmem>> -> memref<1x4x2048xf32, #tpu.memory_space<vmem>>
    %dma_wait3A_53 = tpu.memref_squeeze %dma_wait3A_52 : memref<1x4x2048xf32, #tpu.memory_space<vmem>> -> memref<4x2048xf32, #tpu.memory_space<vmem>>
    %dma_wait3A_54 = arith.constant 0 : i32
    %dma_wait3A_55 = arith.constant 0 : i32
    %dma_wait3A_56 = tpu.memref_slice %arg4[%dma_wait3A_48, %dma_wait3A_54, %dma_wait3A_55] : memref<2048x4x2048xf32, #tpu.memory_space<hbm>> -> memref<1x4x2048xf32, #tpu.memory_space<hbm>>
    %dma_wait3A_57 = tpu.memref_squeeze %dma_wait3A_56 : memref<1x4x2048xf32, #tpu.memory_space<hbm>> -> memref<4x2048xf32, #tpu.memory_space<hbm>>
    %dma_wait3A_58 = tpu.memref_slice %arg9[%dma_wait3A_49] : memref<4x!tpu.dma_semaphore, #tpu.memory_space<semaphore_mem>> -> memref<1x!tpu.dma_semaphore, #tpu.memory_space<semaphore_mem>>
    %dma_wait3A_59 = tpu.memref_squeeze %dma_wait3A_58 : memref<1x!tpu.dma_semaphore, #tpu.memory_space<semaphore_mem>> -> memref<!tpu.dma_semaphore, #tpu.memory_space<semaphore_mem>>
    %dma_wait3A_60 = arith.constant 0 : i32
    %dma_wait3A_61 = arith.constant 0 : i32
    %dma_wait3A_62 = tpu.memref_slice %arg4[%dma_wait3A_48, %dma_wait3A_60, %dma_wait3A_61] : memref<2048x4x2048xf32, #tpu.memory_space<hbm>> -> memref<1x4x2048xf32, #tpu.memory_space<hbm>>
    %dma_wait3A_63 = tpu.memref_squeeze %dma_wait3A_62 : memref<1x4x2048xf32, #tpu.memory_space<hbm>> -> memref<4x2048xf32, #tpu.memory_space<hbm>>
    %dma_wait3A_64 = arith.constant 0 : i32
    %dma_wait3A_65 = arith.constant 0 : i32
    %dma_wait3A_66 = tpu.memref_slice %arg7[%dma_wait3A, %dma_wait3A_64, %dma_wait3A_65] : memref<4x4x2048xf32, #tpu.memory_space<vmem>> -> memref<1x4x2048xf32, #tpu.memory_space<vmem>>
    %dma_wait3A_67 = tpu.memref_squeeze %dma_wait3A_66 : memref<1x4x2048xf32, #tpu.memory_space<vmem>> -> memref<4x2048xf32, #tpu.memory_space<vmem>>
    tpu.wait_dma2 semaphore(%dma_wait3A_59 : memref<!tpu.dma_semaphore, #tpu.memory_space<semaphore_mem>>) src(%dma_wait3A_67 : memref<4x2048xf32, #tpu.memory_space<vmem>>) dst(%dma_wait3A_63 : memref<4x2048xf32, #tpu.memory_space<hbm>>)
    %dma_wait3A_68 = arith.constant 1 : i32
    %dma_wait3A_69 = arith.constant 0 : i32
    %dma_wait3A_70 = arith.constant 1 : i32
    %dma_wait3A_71 = arith.constant 0 : i32
    %dma_wait3A_72 = arith.constant 0 : i32
    %dma_wait3A_73 = tpu.memref_slice %arg7[%dma_wait3A_68, %dma_wait3A_71, %dma_wait3A_72] : memref<4x4x2048xf32, #tpu.memory_space<vmem>> -> memref<1x4x2048xf32, #tpu.memory_space<vmem>>
    %dma_wait3A_74 = tpu.memref_squeeze %dma_wait3A_73 : memref<1x4x2048xf32, #tpu.memory_space<vmem>> -> memref<4x2048xf32, #tpu.memory_space<vmem>>
    %dma_wait3A_75 = arith.constant 0 : i32
    %dma_wait3A_76 = arith.constant 0 : i32
    %dma_wait3A_77 = tpu.memref_slice %arg4[%dma_wait3A_69, %dma_wait3A_75, %dma_wait3A_76] : memref<2048x4x2048xf32, #tpu.memory_space<hbm>> -> memref<1x4x2048xf32, #tpu.memory_space<hbm>>
    %dma_wait3A_78 = tpu.memref_squeeze %dma_wait3A_77 : memref<1x4x2048xf32, #tpu.memory_space<hbm>> -> memref<4x2048xf32, #tpu.memory_space<hbm>>
    %dma_wait3A_79 = tpu.memref_slice %arg9[%dma_wait3A_70] : memref<4x!tpu.dma_semaphore, #tpu.memory_space<semaphore_mem>> -> memref<1x!tpu.dma_semaphore, #tpu.memory_space<semaphore_mem>>
    %dma_wait3A_80 = tpu.memref_squeeze %dma_wait3A_79 : memref<1x!tpu.dma_semaphore, #tpu.memory_space<semaphore_mem>> -> memref<!tpu.dma_semaphore, #tpu.memory_space<semaphore_mem>>
    %dma_wait3A_81 = arith.constant 0 : i32
    %dma_wait3A_82 = arith.constant 0 : i32
    %dma_wait3A_83 = tpu.memref_slice %arg4[%dma_wait3A_69, %dma_wait3A_81, %dma_wait3A_82] : memref<2048x4x2048xf32, #tpu.memory_space<hbm>> -> memref<1x4x2048xf32, #tpu.memory_space<hbm>>
    %dma_wait3A_84 = tpu.memref_squeeze %dma_wait3A_83 : memref<1x4x2048xf32, #tpu.memory_space<hbm>> -> memref<4x2048xf32, #tpu.memory_space<hbm>>
    %dma_wait3A_85 = arith.constant 0 : i32
    %dma_wait3A_86 = arith.constant 0 : i32
    %dma_wait3A_87 = tpu.memref_slice %arg7[%dma_wait3A_68, %dma_wait3A_85, %dma_wait3A_86] : memref<4x4x2048xf32, #tpu.memory_space<vmem>> -> memref<1x4x2048xf32, #tpu.memory_space<vmem>>
    %dma_wait3A_88 = tpu.memref_squeeze %dma_wait3A_87 : memref<1x4x2048xf32, #tpu.memory_space<vmem>> -> memref<4x2048xf32, #tpu.memory_space<vmem>>
    tpu.wait_dma2 semaphore(%dma_wait3A_80 : memref<!tpu.dma_semaphore, #tpu.memory_space<semaphore_mem>>) src(%dma_wait3A_88 : memref<4x2048xf32, #tpu.memory_space<vmem>>) dst(%dma_wait3A_84 : memref<4x2048xf32, #tpu.memory_space<hbm>>)
    %dma_wait3A_89 = arith.constant 2 : i32
    %dma_wait3A_90 = arith.constant 0 : i32
    %dma_wait3A_91 = arith.constant 2 : i32
    %dma_wait3A_92 = arith.constant 0 : i32
    %dma_wait3A_93 = arith.constant 0 : i32
    %dma_wait3A_94 = tpu.memref_slice %arg7[%dma_wait3A_89, %dma_wait3A_92, %dma_wait3A_93] : memref<4x4x2048xf32, #tpu.memory_space<vmem>> -> memref<1x4x2048xf32, #tpu.memory_space<vmem>>
    %dma_wait3A_95 = tpu.memref_squeeze %dma_wait3A_94 : memref<1x4x2048xf32, #tpu.memory_space<vmem>> -> memref<4x2048xf32, #tpu.memory_space<vmem>>
    %dma_wait3A_96 = arith.constant 0 : i32
    %dma_wait3A_97 = arith.constant 0 : i32
    %dma_wait3A_98 = tpu.memref_slice %arg4[%dma_wait3A_90, %dma_wait3A_96, %dma_wait3A_97] : memref<2048x4x2048xf32, #tpu.memory_space<hbm>> -> memref<1x4x2048xf32, #tpu.memory_space<hbm>>
    %dma_wait3A_99 = tpu.memref_squeeze %dma_wait3A_98 : memref<1x4x2048xf32, #tpu.memory_space<hbm>> -> memref<4x2048xf32, #tpu.memory_space<hbm>>
    %dma_wait3A_100 = tpu.memref_slice %arg9[%dma_wait3A_91] : memref<4x!tpu.dma_semaphore, #tpu.memory_space<semaphore_mem>> -> memref<1x!tpu.dma_semaphore, #tpu.memory_space<semaphore_mem>>
    %dma_wait3A_101 = tpu.memref_squeeze %dma_wait3A_100 : memref<1x!tpu.dma_semaphore, #tpu.memory_space<semaphore_mem>> -> memref<!tpu.dma_semaphore, #tpu.memory_space<semaphore_mem>>
    %dma_wait3A_102 = arith.constant 0 : i32
    %dma_wait3A_103 = arith.constant 0 : i32
    %dma_wait3A_104 = tpu.memref_slice %arg4[%dma_wait3A_90, %dma_wait3A_102, %dma_wait3A_103] : memref<2048x4x2048xf32, #tpu.memory_space<hbm>> -> memref<1x4x2048xf32, #tpu.memory_space<hbm>>
    %dma_wait3A_105 = tpu.memref_squeeze %dma_wait3A_104 : memref<1x4x2048xf32, #tpu.memory_space<hbm>> -> memref<4x2048xf32, #tpu.memory_space<hbm>>
    %dma_wait3A_106 = arith.constant 0 : i32
    %dma_wait3A_107 = arith.constant 0 : i32
    %dma_wait3A_108 = tpu.memref_slice %arg7[%dma_wait3A_89, %dma_wait3A_106, %dma_wait3A_107] : memref<4x4x2048xf32, #tpu.memory_space<vmem>> -> memref<1x4x2048xf32, #tpu.memory_space<vmem>>
    %dma_wait3A_109 = tpu.memref_squeeze %dma_wait3A_108 : memref<1x4x2048xf32, #tpu.memory_space<vmem>> -> memref<4x2048xf32, #tpu.memory_space<vmem>>
    tpu.wait_dma2 semaphore(%dma_wait3A_101 : memref<!tpu.dma_semaphore, #tpu.memory_space<semaphore_mem>>) src(%dma_wait3A_109 : memref<4x2048xf32, #tpu.memory_space<vmem>>) dst(%dma_wait3A_105 : memref<4x2048xf32, #tpu.memory_space<hbm>>)
    %dma_wait3A_110 = arith.constant 3 : i32
    %dma_wait3A_111 = arith.constant 0 : i32
    %dma_wait3A_112 = arith.constant 3 : i32
    %dma_wait3A_113 = arith.constant 0 : i32
    %dma_wait3A_114 = arith.constant 0 : i32
    %dma_wait3A_115 = tpu.memref_slice %arg7[%dma_wait3A_110, %dma_wait3A_113, %dma_wait3A_114] : memref<4x4x2048xf32, #tpu.memory_space<vmem>> -> memref<1x4x2048xf32, #tpu.memory_space<vmem>>
    %dma_wait3A_116 = tpu.memref_squeeze %dma_wait3A_115 : memref<1x4x2048xf32, #tpu.memory_space<vmem>> -> memref<4x2048xf32, #tpu.memory_space<vmem>>
    %dma_wait3A_117 = arith.constant 0 : i32
    %dma_wait3A_118 = arith.constant 0 : i32
    %dma_wait3A_119 = tpu.memref_slice %arg4[%dma_wait3A_111, %dma_wait3A_117, %dma_wait3A_118] : memref<2048x4x2048xf32, #tpu.memory_space<hbm>> -> memref<1x4x2048xf32, #tpu.memory_space<hbm>>
    %dma_wait3A_120 = tpu.memref_squeeze %dma_wait3A_119 : memref<1x4x2048xf32, #tpu.memory_space<hbm>> -> memref<4x2048xf32, #tpu.memory_space<hbm>>
    %dma_wait3A_121 = tpu.memref_slice %arg9[%dma_wait3A_112] : memref<4x!tpu.dma_semaphore, #tpu.memory_space<semaphore_mem>> -> memref<1x!tpu.dma_semaphore, #tpu.memory_space<semaphore_mem>>
    %dma_wait3A_122 = tpu.memref_squeeze %dma_wait3A_121 : memref<1x!tpu.dma_semaphore, #tpu.memory_space<semaphore_mem>> -> memref<!tpu.dma_semaphore, #tpu.memory_space<semaphore_mem>>
    %dma_wait3A_123 = arith.constant 0 : i32
    %dma_wait3A_124 = arith.constant 0 : i32
    %dma_wait3A_125 = tpu.memref_slice %arg4[%dma_wait3A_111, %dma_wait3A_123, %dma_wait3A_124] : memref<2048x4x2048xf32, #tpu.memory_space<hbm>> -> memref<1x4x2048xf32, #tpu.memory_space<hbm>>
    %dma_wait3A_126 = tpu.memref_squeeze %dma_wait3A_125 : memref<1x4x2048xf32, #tpu.memory_space<hbm>> -> memref<4x2048xf32, #tpu.memory_space<hbm>>
    %dma_wait3A_127 = arith.constant 0 : i32
    %dma_wait3A_128 = arith.constant 0 : i32
    %dma_wait3A_129 = tpu.memref_slice %arg7[%dma_wait3A_110, %dma_wait3A_127, %dma_wait3A_128] : memref<4x4x2048xf32, #tpu.memory_space<vmem>> -> memref<1x4x2048xf32, #tpu.memory_space<vmem>>
    %dma_wait3A_130 = tpu.memref_squeeze %dma_wait3A_129 : memref<1x4x2048xf32, #tpu.memory_space<vmem>> -> memref<4x2048xf32, #tpu.memory_space<vmem>>
    tpu.wait_dma2 semaphore(%dma_wait3A_122 : memref<!tpu.dma_semaphore, #tpu.memory_space<semaphore_mem>>) src(%dma_wait3A_130 : memref<4x2048xf32, #tpu.memory_space<vmem>>) dst(%dma_wait3A_126 : memref<4x2048xf32, #tpu.memory_space<hbm>>)
    return
  }
}

</mosaic_0001>

<sc_bundles>
// kernel: _run.3.cloned.1.call-start
scs
__scs_entry_jumppad:
0x0: {  	(pc) =	sbr.rel $0x88, $3  }
0x1: {  	(tag) =	ssettag $0x0;
	lr =	simm.s32 $0x1  }
0x2: {  	[smem:$0x3F9F] =	sst lr;
	_ =	strace $0xD0000000  }
0x3: {  	_ = 	snop  }
0x4: {  	_ = 	snop  }
0x5: {  	_ = 	snop  }
0x6: {  	_ = 	snop  }
0x7: {  	_ = 	snop  }
__scs_overlays_trampoline_lowered:
0x8: {  	[smem:$0x3FAE] =	sst s0  }
0x9: {  	[smem:$0x3FAF] =	sst s1  }
0xa: {  	[smem:$0x3FB0] =	sst s2  }
0xb: {  	[smem:$0x3FB1] =	sst s3  }
0xc: {  	[smem:$0x3FB2] =	sst s4  }
0xd: {  	[smem:$0x3FB3] =	sst s5  }
0xe: {  	[smem:$0x3FB4] =	sst s6  }
0xf: {  	[smem:$0x3FB5] =	sst s7  }
0x10: {  	[smem:$0x3FB6] =	sst s8  }
0x11: {  	[smem:$0x3FB7] =	sst s9;
	s0 =	simm.s32 @!p0 $0x0  }
0x12: {  	s1 =	sld [smem:$0x3F9D];
	s0 =	simm.s32 @p0 $0x1  }
0x13: {  	[smem:$0x3FB8] =	sst s0;
	s0 =	simm.s32 @!p1 $0x0  }
0x14: {  	s2 =	sld [smem:$0x3F9C];
	s0 =	simm.s32 @p1 $0x1  }
0x15: {  	[smem:$0x3FB9] =	sst s0;
	s0 =	simm.s32 @!p2 $0x0  }
0x16: {  	s3 =	sld [smem:$0x3FDB];
	s0 =	simm.s32 @p2 $0x1  }
0x17: {  	s4 =	simm.s32 $0x1BF5;
	[smem:$0x3FBB] =	sst s0  }
0x18: {  	s0 =	sld [smem:$0x3F9E];
	_ =	swait.ge [sflag:s4], $0x0  }
0x19: {  	s7 =	sld [smem:$0x3F9F]  }
0x1a: {  	s8 =	sadd.s32 $0xFFFFE003, lr  }
0x1b: {  	s9 =	sadd.s32 $0xFFFFFEF7, lr;
	s5 =	simm.s32 $0xFFFFFFFF;
	p2 =	slt.u32 s8, $0xFFFFF086  }
0x1c: {  	p1 =	slt.u32 s9, $0xF7A;
	s5 =	simm.s32 @!p2 $0x0  }
0x1d: {  	s5 =	simm.s32 @p1 $0x1;
	p0 =	seq.s32 s7, s2  }
0x1e: {  	s7 =	smul.u32 @!p0 $0xF7A, s2;
	p2 =	seq.s32 @!p0 s5, $0x0  }
0x1f: {  	s9 =	smul.u32 $0xF7A, s1;
	s8 =	simm.s32 @!p0 $0x1BF5;
	p2 =	por !p2, p0  }
0x20: {  	[sflag:s8] =	ssyncset.s32 @!p0 $0xFFFFF086;
	s6 =	sadd.s32 @!p0 s3, s7;
	s7 =	simm.s32 @!p0 $0x108  }
0x21: {  	s3 =	sadd.s32 s3, s9;
	s6 =	sadd.s32 @!p0 $0x88, s6;
	s7 =	simm.s32 @p2 $0x1082  }
0x22: {  	[simem:s7], [sflag:s8] =	dma.local @!p0 [hbm:s6], $0xF7A  }
0x23: {  	s9 =	sor.u32 $0xD0000000, s2;
	s6 =	simm.s32 $0x108;
	_ =	swait.ge @!p0 [sflag:s8], $0x0  }
0x24: {  	s3 =	sadd.s32 $0x88, s3;
	s6 =	simm.s32 @!p1 $0x1082;
	[sflag:s4] =	ssyncset.s32 $0xFFFFF086  }
0x25: {  	[simem:s6], [sflag:s4] =	dma.local [hbm:s3], $0xF7A  }
0x26: {  	[smem:$0x3F9F] =	sst s1;
	(tag) =	ssettag s2;
	_ =	strace s9  }
0x27: {  	s1 =	sld [smem:$0x3FAF]  }
0x28: {  	s2 =	sld [smem:$0x3FB0]  }
0x29: {  	s4 =	sld [smem:$0x3FB2]  }
0x2a: {  	p0 =	seq.s32 s5, $0x0;
	s5 =	sld [smem:$0x3FB3]  }
0x2b: {  	s6 =	sld [smem:$0x3FB4]  }
0x2c: {  	s7 =	sld [smem:$0x3FB5]  }
0x2d: {  	s3 =	simm.s32 $0x108;
	s8 =	sld [smem:$0x3FB6]  }
0x2e: {  	s3 =	simm.s32 @!p0 $0x1082;
	s9 =	sld [smem:$0x3FB7]  }
0x2f: {  	lr =	sadd.s32 s0, s3;
	s0 =	sld [smem:$0x3FAE]  }
0x30: {  	s3 =	sld [smem:$0x3FB1]  }
0x31: {  	[smem:$0x3FBA] =	sst s10  }
0x32: {  	s10 =	sld [smem:$0x3FB8];
	_ =	sdelay $0x3  }
0x33: {  	p0 =	seq.s32 s10, $0x1;
	s10 =	sld [smem:$0x3FBA];
	_ =	sdelay $0x3  }
0x34: {  	[smem:$0x3FBA] =	sst s10  }
0x35: {  	s10 =	sld [smem:$0x3FB9];
	_ =	sdelay $0x3  }
0x36: {  	p1 =	seq.s32 s10, $0x1;
	s10 =	sld [smem:$0x3FBA];
	_ =	sdelay $0x3  }
0x37: {  	[smem:$0x3FBA] =	sst s10  }
0x38: {  	s10 =	sld [smem:$0x3FBB]  }
0x39: {  	_ = 	snop;
	(pc) =	sbr.ind lr, $3  }
0x3a: {  	_ = 	snop  }
0x3b: {  	_ = 	snop  }
0x3c: {  	p2 =	seq.s32 s10, $0x1;
	s10 =	sld [smem:$0x3FBA]  }
0x3d: {  	_ =	shalt  }
0x3e: {  	_ =	shalt  }
0x3f: {  	_ =	shalt  }
0x40: {  	_ =	shalt  }
0x41: {  	_ =	shalt  }
0x42: {  	_ =	shalt  }
0x43: {  	_ =	shalt  }
0x44: {  	_ =	shalt  }
0x45: {  	_ =	shalt  }
0x46: {  	_ =	shalt  }
0x47: {  	_ =	shalt  }
0x48: {  	_ =	shalt  }
0x49: {  	_ =	shalt  }
0x4a: {  	_ =	shalt  }
0x4b: {  	_ =	shalt  }
0x4c: {  	_ =	shalt  }
0x4d: {  	_ =	shalt  }
0x4e: {  	_ =	shalt  }
0x4f: {  	_ =	shalt  }
0x50: {  	_ =	shalt  }
0x51: {  	_ =	shalt  }
0x52: {  	_ =	shalt  }
0x53: {  	_ =	shalt  }
0x54: {  	_ =	shalt  }
0x55: {  	_ =	shalt  }
0x56: {  	_ =	shalt  }
0x57: {  	_ =	shalt  }
0x58: {  	_ =	shalt  }
0x59: {  	_ =	shalt  }
0x5a: {  	_ =	shalt  }
0x5b: {  	_ =	shalt  }
0x5c: {  	_ =	shalt  }
0x5d: {  	_ =	shalt  }
0x5e: {  	_ =	shalt  }
0x5f: {  	_ =	shalt  }
0x60: {  	_ =	shalt  }
0x61: {  	_ =	shalt  }
0x62: {  	_ =	shalt  }
0x63: {  	_ =	shalt  }
0x64: {  	_ =	shalt  }
0x65: {  	_ =	shalt  }
0x66: {  	_ =	shalt  }
0x67: {  	_ =	shalt  }
0x68: {  	_ =	shalt  }
0x69: {  	_ =	shalt  }
0x6a: {  	_ =	shalt  }
0x6b: {  	_ =	shalt  }
0x6c: {  	_ =	shalt  }
0x6d: {  	_ =	shalt  }
0x6e: {  	_ =	shalt  }
0x6f: {  	_ =	shalt  }
0x70: {  	_ =	shalt  }
0x71: {  	_ =	shalt  }
0x72: {  	_ =	shalt  }
0x73: {  	_ =	shalt  }
0x74: {  	_ =	shalt  }
0x75: {  	_ =	shalt  }
0x76: {  	_ =	shalt  }
0x77: {  	_ =	shalt  }
0x78: {  	_ =	shalt  }
0x79: {  	_ =	shalt  }
0x7a: {  	_ =	shalt  }
0x7b: {  	_ =	shalt  }
0x7c: {  	_ =	shalt  }
0x7d: {  	_ =	shalt  }
0x7e: {  	_ =	shalt  }
0x7f: {  	_ =	shalt  }
0x80: {  	_ =	shalt  }
0x81: {  	_ =	shalt  }
0x82: {  	_ =	shalt  }
0x83: {  	_ =	shalt  }
0x84: {  	_ =	shalt  }
0x85: {  	_ =	shalt  }
0x86: {  	_ =	shalt  }
0x87: {  	_ =	shalt  }
.Lfunc_end0:
.L_simem_size_0:
called_computation_lowered:
.L_overlay_start_0:
0x88: {  	s2 =	sld [smem:$0x3FD9]  }
0x89: {  	s3 =	sld [smem:$0x3FFE];
	_ =	sdelay $0x1  }
0x8a: {  	s1 =	srdreg.scid  }
0x8b: {  	s0 =	sand.u32 $0x1, s1  }
0x8c: {  	s17 =	sshll.u32 s0, $0xA;
	s2 =	sadd.s32 s3, s2  }
0x8d: {  	s2 =	sadd.s32 s2, s17  }
0x8e: {  	[smem:$0x3FC6] =	sst s2  }
0x8f: {  	_ = 	snop  }
0x90: {  	s2 =	sld [smem:$0x3FC9]  }
0x91: {  	s18 =	sld [smem:$0x3FD0];
	(tm) =	ssettm $0x1  }
0x92: {  	s4 =	sld [smem:$0x3FFB];
	_ =	sdelay $0x3  }
0x93: {  	_ =	strace s4  }
0x94: {  	s4 =	sld [smem:$0x3FFC];
	_ =	sdelay $0x3  }
0x95: {  	_ =	strace s4  }
0x96: {  	s4 =	sld [smem:$0x3FFD];
	_ =	sdelay $0x3  }
0x97: {  	_ =	strace s4  }
0x98: {  	_ =	strace $0x8FFFFFFF  }
0x99: {  	s19 =	sld [smem:$0x3FDB];
	_ =	sdelay $0x1  }
0x9a: {  	s5 =	simm.s32 $_scs_section_size  }
0x9b: {  	s6 =	simm.s32 $_size__tile_overlayer_lowered;
	s7 =	simm.s32 $_tile_overlayer_lowered  }
0x9c: {  	s22 =	simm.s32 $0x1BFF;
	s21 =	sshll.u32 s7, $0x1;
	s4 =	sadd.s32 s5, s19  }
0x9d: {  	s8 =	simm.s32 $0x0;
	s20 =	sshll.u32 s6, $0x1;
	s6 =	sadd.s32 s21, s4  }
0x9e: {  	[timem:s8], [sflag:s22] =	dma.local [hbm:s6], s20  }
0x9f: {  	_ =	swait.ge [sflag:s22], s20  }
0xa0: {  	s5 =	ssub.s32 $0x0, s20;
	[sflag:s22] =	ssyncset.done $0x0  }
0xa1: {  	[sflag:s22] =	ssyncadd.s32 s5;
	_ =	sdelay $0x1  }
0xa2: {  	s23 =	simm.s32 $0x1B8B  }
0xa3: {  	_ =	swait.ge [sflag:s23], $0x1  }
0xa4: {  	[sflag:s23] =	ssyncset.done $0x0  }
0xa5: {  	s25 =	simm.s32 $0x1B8E;
	s24 =	sld [smem:$0x3FFE];
	[sflag:s23] =	ssyncadd.s32 $0xFFFFFFFF  }
0xa6: {  	s26 =	simm.s32 $execute0_lowered;
	[smem:$0x3FD2] =	sst s25  }
0xa7: {  	s6 =	sshll.u32 s26, $0x1;
	_ =	strace $0x80000046;
	[dreg:$0x1] =	wrdreg $0xFFFFFFFF  }
0xa8: {  	s28 =	simm.s32 $_size_execute0_lowered;
	s4 =	sadd.s32 s4, s6;
	[dreg:$0x0] =	wrdreg $0x0  }
0xa9: {  	s6 =	sshll.u32 s28, $0x1;
	[dreg:$0x2] =	wrdreg s4  }
0xaa: {  	[dreg:$0x3] =	wrdreg s6  }
0xab: {  	[dreg:$0x4] =	wrdreg $0xC0  }
0xac: {  	_ =	task [dreg:s8], $0x5FFFF  }
0xad: {  	[dreg:$0x1] =	wrdreg $0xFFFFFFFF  }
0xae: {  	[dreg:$0x0] =	wrdreg $0x60  }
0xaf: {  	[dreg:$0x2] =	wrdreg s2  }
0xb0: {  	[dreg:$0x3] =	wrdreg s24  }
0xb1: {  	[dreg:$0x4] =	wrdreg s18  }
0xb2: {  	[dreg:$0x5] =	wrdreg $0x9  }
0xb3: {  	_ =	task.clear_ibuf [dreg:s8], $0x6FFFF;
	_ =	strace $0x90000046  }
0xb4: {  	s29 =	simm.s32 $0x9;
	_ =	strace $0x80000048  }
0xb5: {  	_ =	swait.ge [sflag:s29], $0x1  }
0xb6: {  	[sflag:s29] =	ssyncadd.s32 $0xFFFFFFFF  }
0xb7: {  	_ =	strace $0x90000048  }
0xb8: {  	_ =	sfence  }
0xb9: {  	s30 =	sld [smem:$0x0];
	_ =	sdelay $0x2  }
0xba: {  	s31 =	sshll.u32 s1, $0xD;
	s1 =	sshrl.u32 s1, $0x2  }
0xbb: {  	s3 =	sand.u32 $0x4000, s31;
	s1 =	sadd.s32 s1, s30  }
0xbc: {  	s0 =	sor.u32 s3, s0;
	s1 =	sshll.u32 s1, $0x11  }
0xbd: {  	s0 =	sor.u32 s1, s0  }
0xbe: {  	s0 =	sadd.s32 $0x8F2B, s0  }
0xbf: {  	[sflag:s0] =	ssyncadd.remote.s32 $0x1  }
0xc0: {  	_ =	sfence.sel $0xFFFF  }
0xc1: {  	[dreg:$0x0] =	wrdreg $0xFFFFFFFF;
	(pc) =	sbr.abs _section_cstart, $3  }
0xc2: {  	[dreg:$0x1] =	wrdreg $0xFFFFFFFF  }
0xc3: {  	_ =	task.clear_ibuf [dreg:s8], $0x2FFFF;
	_ =	strace $0x9FFFFFFF  }
0xc4: {  	(tm) =	ssettm $0x7FFFFFFF  }
0xc5: {  	_ =	shalt  }
tec
execute0_lowered:
.L_overlay_start_1:
0x0: {  	(tag) =	ssettag $0x1  }
0x1: {  	s6 =	rddreg [dreg:$0x0]  }
0x2: {  	s0 =	rddreg [dreg:$0x1]  }
0x3: {  	s1 =	rddreg [dreg:$0x2];
	s2 =	srdreg.scid  }
0x4: {  	s3 =	stileid.u32;
	s4 =	simm.s32 $0x0;
	s2 =	sand.u32 $0x1, s2  }
0x5: {  	s3 =	sshll.u32 s3, $0x1;
	[smem:$0x7FF] =	sst s4;
	s22 =	sadd.s32 $0x100, s6  }
0x6: {  	s23 =	sadd.s32 $0x200, s6;
	_ =	strace $0x80000047;
	[dreg:$0x10] =	wrdreg s22  }
0x7: {  	s24 =	sadd.s32 $0x300, s6;
	s25 =	sadd.s32 $0x400, s6;
	[dreg:$0x11] =	wrdreg s23  }
0x8: {  	s26 =	sadd.s32 $0x500, s6;
	s28 =	sadd.s32 $0x600, s6;
	[dreg:$0x12] =	wrdreg s24  }
0x9: {  	s29 =	sadd.s32 $0x700, s6;
	s3 =	sor.u32 s2, s3;
	[dreg:$0x13] =	wrdreg s25  }
0xa: {  	s2 =	ssub.s32 $0x2, s2;
	[dreg:$0x14] =	wrdreg s26;
	s21 =	sshll.u32 s3, $0xB  }
0xb: {  	[dreg:$0x15] =	wrdreg s28;
	s5 =	sshrl.u32 s2, $0x1;
	s0 =	sadd.s32 s21, s0  }
0xc: {  	[dreg:$0x16] =	wrdreg s29;
	s2 =	ssub.s32 s2, s5;
	s0 =	sadd.s32 $0x400, s0  }
0xd: {  	v3 =	vlaneseq.u32;
	s30 =	sshll.u32 s3, $0x10;
	s31 =	smax.u32 s2, $0x1;
	[dreg:$0xf] =	wrdreg s0  }
0xe: {  	vm0 =	vmmov $0xffff;
	v0 =	vand.u32 $0x7, v3;
	v2 =	vshrl.u32 v3, $0x3;
	s0 =	sadd.s32 s1, s30;
	[dreg:$0x18] =	wrdreg s31  }
0xf: {  	v3 =	vor.u32 $0x8, v3;
	v1 =	vmul.u32 $0x400, v0;
	v2 =	vmul.u32 $0x8, v2;
	s2 =	simm.s32 $0x0;
	[dreg:$0x17] =	wrdreg s0  }
.LBB2_1:
0x10: {  	[dreg:$0x19] =	wrdreg s2  }
0x11: {  	s0 =	simm.s32 $0x0;
	s1 =	rddreg [dreg:$0xf];
	s31 =	simm.s32 $0x7  }
0x12: {  	[tilespmem:s0], [sflag:$0x7] =	stream.linear.gather [hbm4b:s1+s0], $0x4000, $0x38;
	[tilespmem:$0x1C000] =	vst v63  }
0x13: {  	_ =	swait.ge [sflag:s31], $0x4000  }
0x14: {  	[sflag:s31] =	ssyncset.done $0x0  }
0x15: {  	s0 =	simm.s32 $0x0;
	s1 =	simm.s32 $0x200;
	[sflag:s31] =	ssyncadd.s32 $0xFFFFC000  }
.LBB2_2:
0x16: {  	p0 =	sne.s32 s1, $0xFE00;
	v4 =	vld [tilespmem:s0+$0x0];
	_ =	sdelay $0x1  }
.Ltmp0:
0x17: {  	(pc) =	sbr.rel @p0 .LBB2_2-.Ltmp0, $3  }
0x18: {  	_ =	sdelay $0x1  }
0x19: {  	v4 =	vadd.s32 v1, v4  }
0x1a: {  	[tilespmem:s0+$0x0] =	vst v4;
	s0 =	sshra.s32 s1, $0x2;
	s1 =	sadd.s32 $0x200, s1  }
0x1b: {  	v4 =	vld [tilespmem:s0+$0x0];
	_ =	sdelay $0x4  }
0x1c: {  	v4 =	vadd.s32 v1, v4  }
0x1d: {  	[tilespmem:s0+$0x0] =	vst v4  }
0x1e: {  	v4 =	vld [tilespmem:$0x0];
	_ =	sdelay $0x4  }
0x1f: {  	v5 =	vshll.u32 v4, $0x4  }
0x20: {  	v4 =	vand.u32 $0x7, v4;
	v5 =	vand.u32 $0xFFFFFF80, v5  }
0x21: {  	v4 =	vor.u32 v4, v5  }
0x22: {  	v5 =	vperm.xlane v4, v0;
	_ =	sdelay $0x1  }
0x23: {  	v5 =	vadd.s32 v2, v5;
	_ =	sdelay $0x3  }
0x24: {  	s9 =	simm.s32 $0x0;
	s24 =	rddreg [dreg:$0x0];
	s1 =	simm.s32 $0x4000  }
0x25: {  	[tilespmem:s1], [sflag:$0x1] =	stream.indirect_vreg.gather [hbm4b:s24+s9], $0x80, v5, vm0, $0xb8;
	[tilespmem:$0x1C000] =	vst v63  }
0x26: {  	s25 =	rddreg [dreg:$0x10];
	s2 =	simm.s32 $0x4800  }
0x27: {  	[tilespmem:s2], [sflag:$0x1] =	stream.indirect_vreg.gather [hbm4b:s25+s9], $0x80, v5, vm0, $0xb8;
	[tilespmem:$0x1C000] =	vst v63  }
0x28: {  	s26 =	rddreg [dreg:$0x11];
	s3 =	simm.s32 $0x5000  }
0x29: {  	[tilespmem:s3], [sflag:$0x1] =	stream.indirect_vreg.gather [hbm4b:s26+s9], $0x80, v5, vm0, $0xb8;
	[tilespmem:$0x1C000] =	vst v63  }
0x2a: {  	s28 =	rddreg [dreg:$0x12];
	s4 =	simm.s32 $0x5800  }
0x2b: {  	[tilespmem:s4], [sflag:$0x1] =	stream.indirect_vreg.gather [hbm4b:s28+s9], $0x80, v5, vm0, $0xb8;
	[tilespmem:$0x1C000] =	vst v63  }
0x2c: {  	s5 =	simm.s32 $0x6000;
	s4 =	rddreg [dreg:$0x13]  }
0x2d: {  	[tilespmem:s5], [sflag:$0x1] =	stream.indirect_vreg.gather [hbm4b:s4+s9], $0x80, v5, vm0, $0xb8;
	[tilespmem:$0x1C000] =	vst v63  }
0x2e: {  	s6 =	simm.s32 $0x6800;
	v4 =	vperm.xlane v4, v3;
	s5 =	rddreg [dreg:$0x14]  }
0x2f: {  	[tilespmem:s6], [sflag:$0x1] =	stream.indirect_vreg.gather [hbm4b:s5+s9], $0x80, v5, vm0, $0xb8;
	[tilespmem:$0x1C000] =	vst v63  }
0x30: {  	s7 =	simm.s32 $0x7000;
	v4 =	vadd.s32 v2, v4;
	s6 =	rddreg [dreg:$0x15]  }
0x31: {  	[tilespmem:s7], [sflag:$0x1] =	stream.indirect_vreg.gather [hbm4b:s6+s9], $0x80, v5, vm0, $0xb8;
	[tilespmem:$0x1C000] =	vst v63  }
0x32: {  	s8 =	simm.s32 $0x7800;
	s7 =	rddreg [dreg:$0x16]  }
0x33: {  	[tilespmem:s8], [sflag:$0x1] =	stream.indirect_vreg.gather [hbm4b:s7+s9], $0x80, v5, vm0, $0xb8;
	[tilespmem:$0x1C000] =	vst v63  }
0x34: {  	s29 =	simm.s32 $0x8000  }
0x35: {  	[tilespmem:s29], [sflag:$0x1] =	stream.indirect_vreg.gather [hbm4b:s24+s9], $0x80, v4, vm0, $0xb8;
	[tilespmem:$0x1C000] =	vst v63  }
0x36: {  	s30 =	simm.s32 $0x8800  }
0x37: {  	[tilespmem:s30], [sflag:$0x1] =	stream.indirect_vreg.gather [hbm4b:s25+s9], $0x80, v4, vm0, $0xb8;
	[tilespmem:$0x1C000] =	vst v63  }
0x38: {  	s31 =	simm.s32 $0x9000  }
0x39: {  	[tilespmem:s31], [sflag:$0x1] =	stream.indirect_vreg.gather [hbm4b:s26+s9], $0x80, v4, vm0, $0xb8;
	[tilespmem:$0x1C000] =	vst v63  }
0x3a: {  	s10 =	simm.s32 $0x9800  }
0x3b: {  	[tilespmem:s10], [sflag:$0x1] =	stream.indirect_vreg.gather [hbm4b:s28+s9], $0x80, v4, vm0, $0xb8;
	[tilespmem:$0x1C000] =	vst v63  }
0x3c: {  	s11 =	simm.s32 $0xA000  }
0x3d: {  	[tilespmem:s11], [sflag:$0x1] =	stream.indirect_vreg.gather [hbm4b:s4+s9], $0x80, v4, vm0, $0xb8;
	[tilespmem:$0x1C000] =	vst v63  }
0x3e: {  	s12 =	simm.s32 $0xA800  }
0x3f: {  	[tilespmem:s12], [sflag:$0x1] =	stream.indirect_vreg.gather [hbm4b:s5+s9], $0x80, v4, vm0, $0xb8;
	[tilespmem:$0x1C000] =	vst v63  }
0x40: {  	s13 =	simm.s32 $0xB000  }
0x41: {  	[tilespmem:s13], [sflag:$0x1] =	stream.indirect_vreg.gather [hbm4b:s6+s9], $0x80, v4, vm0, $0xb8;
	[tilespmem:$0x1C000] =	vst v63  }
0x42: {  	s14 =	simm.s32 $0xB800  }
0x43: {  	[tilespmem:s14], [sflag:$0x1] =	stream.indirect_vreg.gather [hbm4b:s7+s9], $0x80, v4, vm0, $0xb8;
	[tilespmem:$0x1C000] =	vst v63  }
0x44: {  	v4 =	vld [tilespmem:$0x80];
	_ =	sdelay $0x4  }
0x45: {  	v5 =	vshll.u32 v4, $0x4  }
0x46: {  	v4 =	vand.u32 $0x7, v4;
	v5 =	vand.u32 $0xFFFFFF80, v5  }
0x47: {  	v4 =	vor.u32 v4, v5  }
0x48: {  	v5 =	vperm.xlane v4, v0;
	_ =	sdelay $0x1  }
0x49: {  	v5 =	vadd.s32 v2, v5;
	_ =	sdelay $0x3  }
0x4a: {  	s15 =	simm.s32 $0xC000  }
0x4b: {  	[tilespmem:s15], [sflag:$0x2] =	stream.indirect_vreg.gather [hbm4b:s24+s9], $0x80, v5, vm0, $0xb8;
	[tilespmem:$0x1C000] =	vst v63  }
0x4c: {  	s16 =	simm.s32 $0xC800  }
0x4d: {  	[tilespmem:s16], [sflag:$0x2] =	stream.indirect_vreg.gather [hbm4b:s25+s9], $0x80, v5, vm0, $0xb8;
	[tilespmem:$0x1C000] =	vst v63  }
0x4e: {  	s17 =	simm.s32 $0xD000  }
0x4f: {  	[tilespmem:s17], [sflag:$0x2] =	stream.indirect_vreg.gather [hbm4b:s26+s9], $0x80, v5, vm0, $0xb8;
	[tilespmem:$0x1C000] =	vst v63  }
0x50: {  	s18 =	simm.s32 $0xD800  }
0x51: {  	[tilespmem:s18], [sflag:$0x2] =	stream.indirect_vreg.gather [hbm4b:s28+s9], $0x80, v5, vm0, $0xb8;
	[tilespmem:$0x1C000] =	vst v63  }
0x52: {  	s19 =	simm.s32 $0xE000  }
0x53: {  	[tilespmem:s19], [sflag:$0x2] =	stream.indirect_vreg.gather [hbm4b:s4+s9], $0x80, v5, vm0, $0xb8;
	[tilespmem:$0x1C000] =	vst v63  }
0x54: {  	s20 =	simm.s32 $0xE800;
	v4 =	vperm.xlane v4, v3  }
0x55: {  	[tilespmem:s20], [sflag:$0x2] =	stream.indirect_vreg.gather [hbm4b:s5+s9], $0x80, v5, vm0, $0xb8;
	[tilespmem:$0x1C000] =	vst v63  }
0x56: {  	s21 =	simm.s32 $0xF000;
	v4 =	vadd.s32 v2, v4  }
0x57: {  	[tilespmem:s21], [sflag:$0x2] =	stream.indirect_vreg.gather [hbm4b:s6+s9], $0x80, v5, vm0, $0xb8;
	[tilespmem:$0x1C000] =	vst v63  }
0x58: {  	s22 =	simm.s32 $0xF800  }
0x59: {  	[tilespmem:s22], [sflag:$0x2] =	stream.indirect_vreg.gather [hbm4b:s7+s9], $0x80, v5, vm0, $0xb8;
	[tilespmem:$0x1C000] =	vst v63  }
0x5a: {  	s23 =	simm.s32 $0x10000  }
0x5b: {  	[tilespmem:s23], [sflag:$0x2] =	stream.indirect_vreg.gather [hbm4b:s24+s9], $0x80, v4, vm0, $0xb8;
	[tilespmem:$0x1C000] =	vst v63  }
0x5c: {  	s24 =	simm.s32 $0x10800  }
0x5d: {  	[tilespmem:s24], [sflag:$0x2] =	stream.indirect_vreg.gather [hbm4b:s25+s9], $0x80, v4, vm0, $0xb8;
	[tilespmem:$0x1C000] =	vst v63  }
0x5e: {  	s25 =	simm.s32 $0x11000  }
0x5f: {  	[tilespmem:s25], [sflag:$0x2] =	stream.indirect_vreg.gather [hbm4b:s26+s9], $0x80, v4, vm0, $0xb8;
	[tilespmem:$0x1C000] =	vst v63  }
0x60: {  	s26 =	simm.s32 $0x11800  }
0x61: {  	[tilespmem:s26], [sflag:$0x2] =	stream.indirect_vreg.gather [hbm4b:s28+s9], $0x80, v4, vm0, $0xb8;
	[tilespmem:$0x1C000] =	vst v63  }
0x62: {  	s28 =	simm.s32 $0x12000  }
0x63: {  	[tilespmem:s28], [sflag:$0x2] =	stream.indirect_vreg.gather [hbm4b:s4+s9], $0x80, v4, vm0, $0xb8;
	[tilespmem:$0x1C000] =	vst v63  }
0x64: {  	s29 =	simm.s32 $0x12800  }
0x65: {  	[tilespmem:s29], [sflag:$0x2] =	stream.indirect_vreg.gather [hbm4b:s5+s9], $0x80, v4, vm0, $0xb8;
	[tilespmem:$0x1C000] =	vst v63  }
0x66: {  	s30 =	simm.s32 $0x13000  }
0x67: {  	[tilespmem:s30], [sflag:$0x2] =	stream.indirect_vreg.gather [hbm4b:s6+s9], $0x80, v4, vm0, $0xb8;
	[tilespmem:$0x1C000] =	vst v63  }
0x68: {  	s31 =	simm.s32 $0x13800  }
0x69: {  	[tilespmem:s31], [sflag:$0x2] =	stream.indirect_vreg.gather [hbm4b:s7+s9], $0x80, v4, vm0, $0xb8;
	[tilespmem:$0x1C000] =	vst v63  }
.LBB2_4:
0x6a: {  	s3 =	sand.u32 $0x3, s9;
	p0 =	slt.u32 s9, $0x4  }
0x6b: {  	s0 =	sadd.s32 @!p0 $0x3, s3  }
0x6c: {  	_ =	swait.ge @!p0 [sflag:s0], $0x2000  }
0x6d: {  	s17 =	simm.s32 $0x0;
	[sflag:s0] =	ssyncset.done @!p0 $0x0  }
0x6e: {  	s7 =	simm.s32 $0x0;
	s1 =	simm.s32 $0x1;
	[sflag:s0] =	ssyncadd.s32 @!p0 $0xFFFFE000  }
0x6f: {  	s13 =	sand.u32 $0x40, s17;
	s5 =	sand.u32 $0x3FFFFC00, s7;
	_ =	swait.ge [sflag:s1], $0x8000  }
0x70: {  	s2 =	sadd.s32 $0x4000, s5;
	s6 =	sor.u32 $0x30, s13;
	[sflag:s1] =	ssyncset.done $0x0  }
0x71: {  	s8 =	sor.u32 s6, s2;
	[sflag:s1] =	ssyncadd.s32 $0xFFFF8000  }
0x72: {  	v4 =	vld [tilespmem:s8+$0x0]  }
0x73: {  	v5 =	vld [tilespmem:s8+$0x80]  }
0x74: {  	v6 =	vld [tilespmem:s8+$0x100]  }
0x75: {  	v7 =	vld [tilespmem:s8+$0x180]  }
0x76: {  	v8 =	vld [tilespmem:s8+$0x200]  }
0x77: {  	v9 =	vld [tilespmem:s8+$0x280]  }
0x78: {  	v10 =	vld [tilespmem:s8+$0x300]  }
0x79: {  	v11 =	vld [tilespmem:s8+$0x380];
	_ =	sdelay $0x3  }
0x7a: {  	s10 =	sor.u32 s13, s2;
	v4 =	vadd.f32 v5, v4;
	v5 =	vadd.f32 v7, v6  }
0x7b: {  	v6 =	vadd.f32 v9, v8;
	v7 =	vadd.f32 v11, v10;
	v8 =	vld [tilespmem:s10+$0x0]  }
0x7c: {  	v9 =	vld [tilespmem:s10+$0x80]  }
0x7d: {  	v4 =	vadd.f32 v5, v4;
	v5 =	vadd.f32 v7, v6;
	v6 =	vld [tilespmem:s10+$0x100];
	[dreg:$0x1b] =	wrdreg s3  }
0x7e: {  	s11 =	sshll.u32 s3, $0xD;
	v7 =	vld [tilespmem:s10+$0x180]  }
0x7f: {  	s4 =	sadd.s32 $0x14000, s11;
	v10 =	vld [tilespmem:s10+$0x280]  }
0x80: {  	v4 =	vadd.f32 v5, v4;
	v5 =	vld [tilespmem:s10+$0x200];
	[dreg:$0x4] =	wrdreg s4  }
0x81: {  	s3 =	sor.u32 $0x10, s13;
	v11 =	vld [tilespmem:s10+$0x300]  }
0x82: {  	s23 =	sor.u32 s3, s2;
	v12 =	vld [tilespmem:s10+$0x380]  }
0x83: {  	v19 =	vld [tilespmem:s23+$0x0]  }
0x84: {  	v20 =	vld [tilespmem:s23+$0x80]  }
0x85: {  	s12 =	simm.s32 $0x0;
	v21 =	vld [tilespmem:s23+$0x100]  }
0x86: {  	s14 =	sand.u32 $0x3FFFFE00, s12;
	v22 =	vld [tilespmem:s23+$0x180]  }
0x87: {  	s25 =	sadd.s32 s14, s4;
	v23 =	vld [tilespmem:s23+$0x200];
	v4 =	vmul.f32 $1.000000000e+01, v4  }
0x88: {  	s14 =	sadd.s32 $0x8000, s5;
	s4 =	sadd.s32 s6, s25;
	v25 =	vld [tilespmem:s23+$0x280]  }
0x89: {  	s0 =	sadd.s32 $0x8080, s5;
	s15 =	sor.u32 s6, s14;
	[tilespmem:s4+$0x0] =	vst v4;
	v6 =	vadd.f32 v7, v6;
	v7 =	vld [tilespmem:s23+$0x300]  }
0x8a: {  	s21 =	sadd.s32 $0x8100, s5;
	s16 =	sor.u32 s6, s0;
	v4 =	vld [tilespmem:s15+$0x0]  }
0x8b: {  	s18 =	sor.u32 s6, s21;
	s1 =	sadd.s32 $0x8180, s5;
	v13 =	vld [tilespmem:s16+$0x0]  }
0x8c: {  	s26 =	sadd.s32 $0x8200, s5;
	s19 =	sor.u32 s6, s1;
	v14 =	vld [tilespmem:s18+$0x0]  }
0x8d: {  	s28 =	sadd.s32 $0x8280, s5;
	s20 =	sor.u32 s6, s26;
	v15 =	vld [tilespmem:s19+$0x0]  }
0x8e: {  	s7 =	sor.u32 s6, s28;
	v16 =	vld [tilespmem:s20+$0x0]  }
0x8f: {  	s29 =	sadd.s32 $0x8380, s5;
	v17 =	vld [tilespmem:s7+$0x0]  }
0x90: {  	s15 =	sadd.s32 $0x8300, s5;
	s5 =	sor.u32 s6, s29;
	v5 =	vadd.f32 v10, v5;
	v10 =	vld [tilespmem:s23+$0x380]  }
0x91: {  	s22 =	sor.u32 s6, s15;
	v24 =	vld [tilespmem:s5+$0x0];
	s5 =	sor.u32 $0x20, s13  }
0x92: {  	v8 =	vadd.f32 v9, v8;
	v9 =	vadd.f32 v12, v11;
	v18 =	vld [tilespmem:s22+$0x0];
	s2 =	sor.u32 s5, s2  }
0x93: {  	v11 =	vld [tilespmem:s2+$0x0]  }
0x94: {  	v6 =	vadd.f32 v6, v8;
	v5 =	vadd.f32 v9, v5;
	v8 =	vld [tilespmem:s2+$0x80]  }
0x95: {  	v9 =	vld [tilespmem:s2+$0x100]  }
0x96: {  	v46 =	vld [tilespmem:s2+$0x200];
	v5 =	vadd.f32 v5, v6  }
0x97: {  	v26 =	vld [tilespmem:s2+$0x280]  }
0x98: {  	v48 =	vld [tilespmem:s2+$0x300];
	v5 =	vmul.f32 $1.000000000e+01, v5  }
0x99: {  	v19 =	vadd.f32 v20, v19;
	s6 =	sadd.s32 s13, s25;
	v47 =	vadd.f32 v22, v21;
	v49 =	vld [tilespmem:s2+$0x380]  }
0x9a: {  	s24 =	sor.u32 s13, s14;
	v6 =	vld [tilespmem:s2+$0x180];
	v7 =	vadd.f32 v10, v7;
	[tilespmem:s6+$0x0] =	vst v5;
	v5 =	vadd.f32 v25, v23  }
0x9b: {  	s30 =	sor.u32 s13, s0;
	v10 =	vld [tilespmem:s24+$0x0]  }
0x9c: {  	s7 =	sor.u32 s13, s1;
	v19 =	vadd.f32 v47, v19;
	v50 =	vld [tilespmem:s30+$0x0];
	v5 =	vadd.f32 v7, v5  }
0x9d: {  	s8 =	sor.u32 s13, s26;
	v51 =	vld [tilespmem:s7+$0x0]  }
0x9e: {  	s10 =	sor.u32 s13, s28;
	v52 =	vld [tilespmem:s8+$0x0];
	v5 =	vadd.f32 v5, v19  }
0x9f: {  	s11 =	sor.u32 s13, s15;
	v54 =	vld [tilespmem:s10+$0x0]  }
0xa0: {  	s12 =	sor.u32 s13, s29;
	v4 =	vadd.f32 v13, v4;
	v6 =	vadd.f32 v6, v9;
	v9 =	vld [tilespmem:s11+$0x0];
	v5 =	vmul.f32 $1.000000000e+01, v5  }
0xa1: {  	s31 =	sor.u32 s13, s21;
	v14 =	vadd.f32 v15, v14;
	v8 =	vadd.f32 v8, v11;
	s7 =	sadd.s32 s3, s25;
	v55 =	vld [tilespmem:s12+$0x0]  }
0xa2: {  	s13 =	sor.u32 s3, s14;
	v11 =	vadd.f32 v26, v46;
	v7 =	vld [tilespmem:s31+$0x0];
	[tilespmem:s7+$0x0] =	vst v5;
	v5 =	vadd.f32 v49, v48  }
0xa3: {  	s16 =	sor.u32 s3, s0;
	v53 =	vadd.f32 v17, v16;
	v56 =	vadd.f32 v24, v18;
	v57 =	vld [tilespmem:s13+$0x0]  }
0xa4: {  	s18 =	sor.u32 s3, s21;
	v6 =	vadd.f32 v6, v8;
	v8 =	vld [tilespmem:s16+$0x0];
	v5 =	vadd.f32 v5, v11  }
0xa5: {  	s19 =	sor.u32 s3, s1;
	v4 =	vadd.f32 v14, v4;
	v10 =	vadd.f32 v50, v10;
	v58 =	vld [tilespmem:s18+$0x0]  }
0xa6: {  	s20 =	sor.u32 s3, s26;
	v59 =	vld [tilespmem:s19+$0x0];
	v11 =	vadd.f32 v56, v53;
	v5 =	vadd.f32 v5, v6  }
0xa7: {  	s22 =	sor.u32 s3, s28;
	v9 =	vadd.f32 v55, v9;
	v7 =	vadd.f32 v51, v7;
	v60 =	vld [tilespmem:s20+$0x0]  }
0xa8: {  	s23 =	sor.u32 s3, s15;
	v61 =	vld [tilespmem:s22+$0x0];
	v6 =	vadd.f32 v54, v52;
	v11 =	vadd.f32 v11, v4;
	v5 =	vmul.f32 $1.000000000e+01, v5  }
0xa9: {  	s8 =	sadd.s32 s5, s25;
	s24 =	sor.u32 s3, s29;
	v4 =	vld [tilespmem:s23+$0x0]  }
0xaa: {  	s25 =	sor.u32 s5, s14;
	v7 =	vadd.f32 v7, v10;
	v9 =	vadd.f32 v9, v6;
	v6 =	vld [tilespmem:s24+$0x0];
	v10 =	vmul.f32 $1.000000000e+01, v11;
	[tilespmem:s8+$0x0] =	vst v5  }
0xab: {  	s0 =	sor.u32 s5, s0;
	v62 =	vadd.f32 v8, v57;
	v5 =	vld [tilespmem:s25+$0x0]  }
0xac: {  	s30 =	sor.u32 s5, s21;
	s14 =	sor.u32 s5, s28;
	s31 =	sshll.u32 s9, $0xA;
	v63 =	vadd.f32 v59, v58;
	v7 =	vadd.f32 v9, v7;
	[tilespmem:s4+$0x80] =	vst v10;
	v8 =	vld [tilespmem:s0+$0x0]  }
0xad: {  	s16 =	sor.u32 s5, s1;
	s13 =	sor.u32 s5, s15;
	v9 =	vld [tilespmem:s30+$0x0];
	[dreg:$0x1a] =	wrdreg s9  }
0xae: {  	s1 =	sor.u32 s5, s29;
	v10 =	vadd.f32 v61, v60;
	s0 =	sor.u32 s5, s26;
	[dreg:$0x1c] =	wrdreg s31;
	v11 =	vmul.f32 $1.000000000e+01, v7;
	v7 =	vadd.f32 v63, v62  }
.LBB2_5:
0xaf: {  	s17 =	sadd.s32 $0x40, s17  }
0xb0: {  	v12 =	vld [tilespmem:s16+$0x0];
	s2 =	sshll.u32 s17, $0x3  }
0xb1: {  	[tilespmem:s6+$0x80] =	vst v11;
	s4 =	sand.u32 $0x40, s17;
	v11 =	vld [tilespmem:s14+$0x0];
	s9 =	sand.u32 $0x3FFFFC00, s2  }
0xb2: {  	s10 =	sor.u32 $0x30, s4;
	s2 =	sadd.s32 $0x4000, s9;
	v4 =	vadd.f32 v6, v4;
	v6 =	vld [tilespmem:s0+$0x0]  }
0xb3: {  	v5 =	vadd.f32 v8, v5;
	s5 =	sor.u32 s10, s2;
	v8 =	vld [tilespmem:s1+$0x0]  }
0xb4: {  	v13 =	vld [tilespmem:s5+$0x0]  }
0xb5: {  	s3 =	sor.u32 s4, s2;
	v50 =	vld [tilespmem:s5+$0x100]  }
0xb6: {  	v14 =	vld [tilespmem:s3+$0x0];
	v4 =	vadd.f32 v4, v10  }
0xb7: {  	v10 =	vld [tilespmem:s13+$0x0]  }
0xb8: {  	v15 =	vld [tilespmem:s3+$0x100];
	v4 =	vadd.f32 v4, v7  }
0xb9: {  	v7 =	vadd.f32 v12, v9;
	v9 =	vld [tilespmem:s5+$0x80]  }
0xba: {  	v6 =	vadd.f32 v11, v6;
	v11 =	vld [tilespmem:s5+$0x200];
	v4 =	vmul.f32 $1.000000000e+01, v4  }
0xbb: {  	v5 =	vadd.f32 v7, v5;
	v7 =	vld [tilespmem:s5+$0x180]  }
0xbc: {  	[tilespmem:s7+$0x80] =	vst v4;
	v4 =	vadd.f32 v8, v10;
	v8 =	vld [tilespmem:s5+$0x280]  }
0xbd: {  	v10 =	vld [tilespmem:s5+$0x300]  }
0xbe: {  	v4 =	vadd.f32 v4, v6;
	v6 =	vld [tilespmem:s5+$0x380]  }
0xbf: {  	s29 =	sor.u32 $0x10, s4;
	v16 =	vld [tilespmem:s3+$0x180]  }
0xc0: {  	v51 =	vld [tilespmem:s3+$0x200];
	s13 =	sor.u32 s29, s2  }
0xc1: {  	v52 =	vld [tilespmem:s13+$0x180];
	v4 =	vadd.f32 v4, v5  }
0xc2: {  	v9 =	vadd.f32 v9, v13;
	v55 =	vld [tilespmem:s13+$0x280];
	v7 =	vadd.f32 v7, v50  }
0xc3: {  	v5 =	vld [tilespmem:s3+$0x80];
	v8 =	vadd.f32 v8, v11;
	v4 =	vmul.f32 $1.000000000e+01, v4;
	v6 =	vadd.f32 v6, v10  }
0xc4: {  	v10 =	vld [tilespmem:s3+$0x300]  }
0xc5: {  	v7 =	vadd.f32 v7, v9;
	[tilespmem:s8+$0x80] =	vst v4;
	v4 =	vld [tilespmem:s3+$0x280];
	v6 =	vadd.f32 v6, v8  }
0xc6: {  	v8 =	vld [tilespmem:s3+$0x380]  }
0xc7: {  	s12 =	sshll.u32 s17, $0x2;
	v56 =	vld [tilespmem:s13+$0x300];
	v6 =	vadd.f32 v6, v7  }
0xc8: {  	s15 =	rddreg [dreg:$0x4];
	s28 =	sor.u32 $0x20, s4;
	s1 =	sand.u32 $0x3FFFFE00, s12;
	v9 =	vadd.f32 v16, v15;
	v11 =	vld [tilespmem:s13+$0x0];
	v5 =	vadd.f32 v5, v14  }
0xc9: {  	s26 =	sor.u32 s28, s2;
	s2 =	sadd.s32 s1, s15;
	v7 =	vld [tilespmem:s13+$0x80];
	v6 =	vmul.f32 $1.000000000e+01, v6  }
0xca: {  	s1 =	sadd.s32 $0x8000, s9;
	s15 =	sadd.s32 s10, s2;
	v5 =	vadd.f32 v9, v5;
	v9 =	vld [tilespmem:s13+$0x100]  }
0xcb: {  	s16 =	sadd.s32 s29, s2;
	s18 =	sor.u32 s10, s1;
	v57 =	vld [tilespmem:s13+$0x380];
	s3 =	sadd.s32 $0x8080, s9;
	v4 =	vadd.f32 v4, v51;
	v8 =	vadd.f32 v8, v10;
	[tilespmem:s15+$0x0] =	vst v6  }
0xcc: {  	[dreg:$0x6] =	wrdreg s16;
	s16 =	sadd.s32 $0x8100, s9;
	s19 =	sor.u32 s10, s3;
	v6 =	vld [tilespmem:s18+$0x0]  }
0xcd: {  	s24 =	sadd.s32 $0x8200, s9;
	s21 =	sor.u32 s10, s16;
	v4 =	vadd.f32 v8, v4;
	v8 =	vld [tilespmem:s19+$0x0]  }
0xce: {  	s23 =	sadd.s32 $0x8180, s9;
	s31 =	sor.u32 s10, s24;
	v7 =	vadd.f32 v7, v11;
	v11 =	vld [tilespmem:s21+$0x0]  }
0xcf: {  	s25 =	sadd.s32 $0x8280, s9;
	s22 =	sor.u32 s10, s23;
	v53 =	vld [tilespmem:s31+$0x0];
	v4 =	vadd.f32 v4, v5;
	v5 =	vadd.f32 v52, v9  }
0xd0: {  	s8 =	sor.u32 s10, s25;
	v9 =	vld [tilespmem:s22+$0x0];
	s22 =	sadd.s32 $0x8300, s9  }
0xd1: {  	s12 =	sadd.s32 $0x8380, s9;
	s9 =	sor.u32 s10, s22;
	v4 =	vmul.f32 $1.000000000e+01, v4;
	v5 =	vadd.f32 v5, v7;
	v7 =	vld [tilespmem:s8+$0x0]  }
0xd2: {  	s6 =	sadd.s32 s4, s2;
	s10 =	sor.u32 s10, s12;
	v54 =	vld [tilespmem:s9+$0x0]  }
0xd3: {  	[tilespmem:s6+$0x0] =	vst v4;
	v4 =	vld [tilespmem:s10+$0x0]  }
0xd4: {  	v10 =	vld [tilespmem:s13+$0x200]  }
0xd5: {  	v17 =	vld [tilespmem:s26+$0x0]  }
0xd6: {  	v58 =	vld [tilespmem:s26+$0x180]  }
0xd7: {  	s11 =	sor.u32 s4, s24;
	s20 =	sor.u32 s4, s1;
	v59 =	vld [tilespmem:s26+$0x280];
	v6 =	vadd.f32 v8, v6;
	v8 =	vadd.f32 v9, v11  }
0xd8: {  	s0 =	sor.u32 s28, s24;
	s14 =	sor.u32 s28, s1;
	[dreg:$0xb] =	wrdreg s20;
	v9 =	vld [tilespmem:s26+$0x80];
	v7 =	vadd.f32 v7, v53;
	v4 =	vadd.f32 v4, v54  }
0xd9: {  	s2 =	sadd.s32 s28, s2;
	[dreg:$0xa] =	wrdreg s14;
	s14 =	sor.u32 s28, s25;
	v10 =	vadd.f32 v55, v10;
	v11 =	vld [tilespmem:s26+$0x100];
	v6 =	vadd.f32 v8, v6  }
0xda: {  	s5 =	sor.u32 s4, s16;
	s30 =	sor.u32 s4, s3;
	s21 =	sor.u32 s29, s1;
	v61 =	vld [tilespmem:s11+$0x0];
	v4 =	vadd.f32 v4, v7;
	v7 =	vadd.f32 v57, v56  }
0xdb: {  	s1 =	sor.u32 s28, s12;
	s10 =	sor.u32 s29, s16;
	s16 =	sor.u32 s28, s16;
	v8 =	vld [tilespmem:s26+$0x200]  }
0xdc: {  	s13 =	sor.u32 s28, s22;
	s9 =	sor.u32 s29, s3;
	[dreg:$0x7] =	wrdreg s16;
	v4 =	vadd.f32 v4, v6;
	v6 =	vadd.f32 v7, v10;
	v7 =	vld [tilespmem:s26+$0x300]  }
0xdd: {  	s3 =	sor.u32 s28, s3;
	s16 =	sor.u32 s28, s23;
	s28 =	rddreg [dreg:$0xb];
	v10 =	vld [tilespmem:s26+$0x380]  }
0xde: {  	v60 =	vld [tilespmem:s28+$0x0];
	v4 =	vmul.f32 $1.000000000e+01, v4;
	v5 =	vadd.f32 v6, v5  }
0xdf: {  	v9 =	vadd.f32 v9, v17;
	v6 =	vadd.f32 v58, v11;
	v11 =	vld [tilespmem:s30+$0x0]  }
0xe0: {  	s7 =	sor.u32 s4, s23;
	[tilespmem:s15+$0x80] =	vst v4;
	v4 =	vld [tilespmem:s5+$0x0];
	v5 =	vmul.f32 $1.000000000e+01, v5  }
0xe1: {  	s18 =	sor.u32 s4, s25;
	v6 =	vadd.f32 v6, v9;
	v9 =	vld [tilespmem:s7+$0x0];
	s7 =	rddreg [dreg:$0x6]  }
0xe2: {  	s19 =	sor.u32 s4, s22;
	v8 =	vadd.f32 v59, v8;
	[tilespmem:s7+$0x0] =	vst v5;
	v5 =	vadd.f32 v10, v7;
	v7 =	vld [tilespmem:s18+$0x0]  }
0xe3: {  	s20 =	sor.u32 s4, s12;
	v10 =	vld [tilespmem:s19+$0x0]  }
0xe4: {  	v5 =	vadd.f32 v5, v8;
	v8 =	vld [tilespmem:s20+$0x0]  }
0xe5: {  	v11 =	vadd.f32 v11, v60;
	v62 =	vld [tilespmem:s10+$0x0]  }
0xe6: {  	v4 =	vadd.f32 v9, v4;
	v9 =	vld [tilespmem:s21+$0x0];
	v5 =	vadd.f32 v5, v6  }
0xe7: {  	s8 =	sor.u32 s29, s23;
	v6 =	vld [tilespmem:s9+$0x0]  }
0xe8: {  	s4 =	sor.u32 s29, s25;
	v11 =	vadd.f32 v4, v11;
	v4 =	vmul.f32 $1.000000000e+01, v5;
	v5 =	vld [tilespmem:s8+$0x0]  }
0xe9: {  	[dreg:$0x5] =	wrdreg s2;
	s2 =	sor.u32 s29, s24;
	v63 =	vld [tilespmem:s4+$0x0];
	v7 =	vadd.f32 v7, v61;
	v8 =	vadd.f32 v8, v10  }
0xea: {  	p0 =	slt.u32 s17, $0x7C0;
	s31 =	sor.u32 s29, s22;
	s8 =	rddreg [dreg:$0x5];
	v10 =	vld [tilespmem:s2+$0x0]  }
.Ltmp1:
0xeb: {  	s29 =	sor.u32 s29, s12;
	[tilespmem:s8+$0x0] =	vst v4;
	v4 =	vld [tilespmem:s31+$0x0];
	v7 =	vadd.f32 v8, v7;
	(pc) =	sbr.rel @p0 .LBB2_5-.Ltmp1, $4  }
0xec: {  	v9 =	vadd.f32 v6, v9;
	v6 =	vld [tilespmem:s29+$0x0]  }
0xed: {  	s30 =	rddreg [dreg:$0xa];
	v8 =	vld [tilespmem:s3+$0x0];
	v7 =	vadd.f32 v7, v11;
	v12 =	vadd.f32 v5, v62  }
0xee: {  	s31 =	rddreg [dreg:$0x7];
	v5 =	vld [tilespmem:s30+$0x0]  }
0xef: {  	v10 =	vadd.f32 v63, v10;
	v11 =	vmul.f32 $1.000000000e+01, v7;
	v7 =	vadd.f32 v12, v9;
	v9 =	vld [tilespmem:s31+$0x0]  }
0xf0: {  	v12 =	vld [tilespmem:s16+$0x0]  }
0xf1: {  	v13 =	vld [tilespmem:s0+$0x0]  }
0xf2: {  	v14 =	vld [tilespmem:s14+$0x0]  }
0xf3: {  	v15 =	vld [tilespmem:s13+$0x0]  }
0xf4: {  	v16 =	vld [tilespmem:s1+$0x0];
	_ =	sdelay $0x2  }
0xf5: {  	v4 =	vadd.f32 v6, v4  }
0xf6: {  	v5 =	vadd.f32 v8, v5;
	v6 =	vadd.f32 v12, v9  }
0xf7: {  	v8 =	vadd.f32 v14, v13;
	v9 =	vadd.f32 v16, v15  }
0xf8: {  	v4 =	vadd.f32 v4, v10  }
0xf9: {  	v5 =	vadd.f32 v6, v5;
	v6 =	vadd.f32 v9, v8  }
0xfa: {  	v4 =	vadd.f32 v4, v7  }
0xfb: {  	v5 =	vadd.f32 v6, v5  }
0xfc: {  	v4 =	vmul.f32 $1.000000000e+01, v4  }
0xfd: {  	[tilespmem:s6+$0x80] =	vst v11;
	v5 =	vmul.f32 $1.000000000e+01, v5  }
0xfe: {  	[tilespmem:s7+$0x80] =	vst v4  }
0xff: {  	s7 =	rddreg [dreg:$0x1a];
	[tilespmem:s8+$0x80] =	vst v5  }
0x100: {  	p0 =	seq.s32 s7, $0x3F;
	s0 =	rddreg [dreg:$0x1c]  }
0x101: {  	s0 =	sshrl.u32 @!p0 s0, $0x2  }
0x102: {  	v4 =	vld @!p0 [tilespmem:s0+$0x100];
	_ =	sdelay $0x4  }
0x103: {  	v5 =	vshll.u32 @!p0 v4, $0x4  }
0x104: {  	v6 =	vlaneseq.u32 @!p0;
	v4 =	vand.u32 @!p0 $0x7, v4;
	v5 =	vand.u32 @!p0 $0xFFFFFF80, v5  }
0x105: {  	v7 =	vshrl.u32 @!p0 v6, $0x3;
	v4 =	vor.u32 @!p0 v4, v5;
	v5 =	vand.u32 @!p0 $0x7, v6  }
0x106: {  	v7 =	vmul.u32 @!p0 $0x8, v7;
	v5 =	vperm.xlane @!p0 v4, v5;
	_ =	sdelay $0x1  }
0x107: {  	v5 =	vadd.s32 @!p0 v7, v5;
	_ =	sdelay $0x2  }
0x108: {  	s2 =	rddreg [dreg:$0x0]  }
0x109: {  	vm1 =	vmmov @!p0 $0xffff;
	s1 =	simm.s32 @!p0 $0x4000;
	[dreg:$0x1d] =	wrdreg s0;
	s0 =	simm.s32 @!p0 $0x0  }
0x10a: {  	[tilespmem:s1], [sflag:$0x1] =	stream.indirect_vreg.gather @!p0 [hbm4b:s2+s0], $0x80, v5, vm1, $0xb8;
	[tilespmem:$0x1C000] =	vst v63  }
0x10b: {  	s3 =	rddreg [dreg:$0x10];
	s1 =	simm.s32 @!p0 $0x4800  }
0x10c: {  	[tilespmem:s1], [sflag:$0x1] =	stream.indirect_vreg.gather @!p0 [hbm4b:s3+s0], $0x80, v5, vm1, $0xb8;
	[tilespmem:$0x1C000] =	vst v63  }
0x10d: {  	s4 =	rddreg [dreg:$0x11];
	s1 =	simm.s32 @!p0 $0x5000  }
0x10e: {  	[tilespmem:s1], [sflag:$0x1] =	stream.indirect_vreg.gather @!p0 [hbm4b:s4+s0], $0x80, v5, vm1, $0xb8;
	[tilespmem:$0x1C000] =	vst v63  }
0x10f: {  	s5 =	rddreg [dreg:$0x12];
	s1 =	simm.s32 @!p0 $0x5800  }
0x110: {  	[tilespmem:s1], [sflag:$0x1] =	stream.indirect_vreg.gather @!p0 [hbm4b:s5+s0], $0x80, v5, vm1, $0xb8;
	[tilespmem:$0x1C000] =	vst v63  }
0x111: {  	s6 =	rddreg [dreg:$0x13];
	s1 =	simm.s32 @!p0 $0x6000  }
0x112: {  	v6 =	vor.u32 @!p0 $0x8, v6;
	[tilespmem:s1], [sflag:$0x1] =	stream.indirect_vreg.gather @!p0 [hbm4b:s6+s0], $0x80, v5, vm1, $0xb8;
	[tilespmem:$0x1C000] =	vst v63  }
0x113: {  	s7 =	rddreg [dreg:$0x14];
	v4 =	vperm.xlane @!p0 v4, v6;
	s1 =	simm.s32 @!p0 $0x6800  }
0x114: {  	[tilespmem:s1], [sflag:$0x1] =	stream.indirect_vreg.gather @!p0 [hbm4b:s7+s0], $0x80, v5, vm1, $0xb8;
	[tilespmem:$0x1C000] =	vst v63  }
0x115: {  	s8 =	rddreg [dreg:$0x15];
	v4 =	vadd.s32 @!p0 v7, v4;
	s1 =	simm.s32 @!p0 $0x7000  }
0x116: {  	[tilespmem:s1], [sflag:$0x1] =	stream.indirect_vreg.gather @!p0 [hbm4b:s8+s0], $0x80, v5, vm1, $0xb8;
	[tilespmem:$0x1C000] =	vst v63  }
0x117: {  	s9 =	rddreg [dreg:$0x16];
	s1 =	simm.s32 @!p0 $0x7800  }
0x118: {  	[tilespmem:s1], [sflag:$0x1] =	stream.indirect_vreg.gather @!p0 [hbm4b:s9+s0], $0x80, v5, vm1, $0xb8;
	[tilespmem:$0x1C000] =	vst v63  }
0x119: {  	s1 =	simm.s32 @!p0 $0x8000  }
0x11a: {  	[tilespmem:s1], [sflag:$0x1] =	stream.indirect_vreg.gather @!p0 [hbm4b:s2+s0], $0x80, v4, vm1, $0xb8;
	[tilespmem:$0x1C000] =	vst v63  }
0x11b: {  	s1 =	simm.s32 @!p0 $0x8800  }
0x11c: {  	[tilespmem:s1], [sflag:$0x1] =	stream.indirect_vreg.gather @!p0 [hbm4b:s3+s0], $0x80, v4, vm1, $0xb8;
	[tilespmem:$0x1C000] =	vst v63  }
0x11d: {  	s1 =	simm.s32 @!p0 $0x9000  }
0x11e: {  	[tilespmem:s1], [sflag:$0x1] =	stream.indirect_vreg.gather @!p0 [hbm4b:s4+s0], $0x80, v4, vm1, $0xb8;
	[tilespmem:$0x1C000] =	vst v63  }
0x11f: {  	s1 =	simm.s32 @!p0 $0x9800  }
0x120: {  	[tilespmem:s1], [sflag:$0x1] =	stream.indirect_vreg.gather @!p0 [hbm4b:s5+s0], $0x80, v4, vm1, $0xb8;
	[tilespmem:$0x1C000] =	vst v63  }
0x121: {  	s1 =	simm.s32 @!p0 $0xA000  }
0x122: {  	[tilespmem:s1], [sflag:$0x1] =	stream.indirect_vreg.gather @!p0 [hbm4b:s6+s0], $0x80, v4, vm1, $0xb8;
	[tilespmem:$0x1C000] =	vst v63  }
0x123: {  	s1 =	simm.s32 @!p0 $0xA800  }
0x124: {  	[tilespmem:s1], [sflag:$0x1] =	stream.indirect_vreg.gather @!p0 [hbm4b:s7+s0], $0x80, v4, vm1, $0xb8;
	[tilespmem:$0x1C000] =	vst v63  }
0x125: {  	s1 =	simm.s32 @!p0 $0xB000  }
0x126: {  	[tilespmem:s1], [sflag:$0x1] =	stream.indirect_vreg.gather @!p0 [hbm4b:s8+s0], $0x80, v4, vm1, $0xb8;
	[tilespmem:$0x1C000] =	vst v63  }
0x127: {  	s1 =	simm.s32 @!p0 $0xB800  }
0x128: {  	[tilespmem:s1], [sflag:$0x1] =	stream.indirect_vreg.gather @!p0 [hbm4b:s9+s0], $0x80, v4, vm1, $0xb8;
	[tilespmem:$0x1C000] =	vst v63  }
0x129: {  	s30 =	simm.s32 $0x0;
	s8 =	simm.s32 $0x0;
	s9 =	simm.s32 $0x2  }
0x12a: {  	s26 =	sand.u32 $0x40, s30;
	s10 =	sand.u32 $0x3FFFFC00, s8;
	_ =	swait.ge [sflag:s9], $0x8000  }
0x12b: {  	s12 =	sor.u32 $0x30, s26;
	s11 =	sadd.s32 $0xC000, s10;
	[sflag:s9] =	ssyncset.done $0x0  }
0x12c: {  	s14 =	sor.u32 s12, s11;
	[sflag:s9] =	ssyncadd.s32 $0xFFFF8000  }
0x12d: {  	v4 =	vld [tilespmem:s14+$0x0]  }
0x12e: {  	v5 =	vld [tilespmem:s14+$0x80]  }
0x12f: {  	v6 =	vld [tilespmem:s14+$0x100]  }
0x130: {  	v7 =	vld [tilespmem:s14+$0x180]  }
0x131: {  	v8 =	vld [tilespmem:s14+$0x200]  }
0x132: {  	v9 =	vld [tilespmem:s14+$0x280]  }
0x133: {  	v10 =	vld [tilespmem:s14+$0x300]  }
0x134: {  	s7 =	sor.u32 $0x10, s26;
	s15 =	sor.u32 s26, s11;
	v11 =	vld [tilespmem:s14+$0x380]  }
0x135: {  	s25 =	sor.u32 s7, s11;
	v41 =	vld [tilespmem:s15+$0x380]  }
0x136: {  	v19 =	vld [tilespmem:s25+$0x0]  }
0x137: {  	v20 =	vld [tilespmem:s25+$0x80]  }
0x138: {  	v21 =	vld [tilespmem:s25+$0x100]  }
0x139: {  	v22 =	vld [tilespmem:s25+$0x180]  }
0x13a: {  	v23 =	vld [tilespmem:s25+$0x200];
	v4 =	vadd.f32 v5, v4;
	v5 =	vadd.f32 v7, v6  }
0x13b: {  	v25 =	vld [tilespmem:s25+$0x280];
	v6 =	vadd.f32 v9, v8;
	v7 =	vadd.f32 v11, v10  }
0x13c: {  	v8 =	vld [tilespmem:s15+$0x0]  }
0x13d: {  	v4 =	vadd.f32 v5, v4;
	v5 =	vadd.f32 v7, v6;
	v6 =	vld [tilespmem:s15+$0x100]  }
0x13e: {  	v7 =	vld [tilespmem:s15+$0x180]  }
0x13f: {  	s16 =	simm.s32 $0x0;
	v9 =	vld [tilespmem:s15+$0x80];
	v4 =	vadd.f32 v5, v4  }
0x140: {  	s1 =	sand.u32 $0x3FFFFE00, s16;
	s17 =	rddreg [dreg:$0x4];
	v10 =	vld [tilespmem:s15+$0x280]  }
0x141: {  	s29 =	sadd.s32 s1, s17;
	v11 =	vld [tilespmem:s15+$0x300];
	v4 =	vmul.f32 $1.000000000e+01, v4  }
0x142: {  	s14 =	sadd.s32 $0x10000, s10;
	s4 =	sadd.s32 s12, s29;
	v5 =	vld [tilespmem:s15+$0x200]  }
0x143: {  	s1 =	sadd.s32 $0x10080, s10;
	s18 =	sor.u32 s12, s14;
	v6 =	vadd.f32 v7, v6;
	v7 =	vld [tilespmem:s25+$0x300];
	[tilespmem:s4+$0x100] =	vst v4  }
0x144: {  	s0 =	sadd.s32 $0x10100, s10;
	s19 =	sor.u32 s12, s1;
	v4 =	vld [tilespmem:s18+$0x0]  }
0x145: {  	s13 =	sadd.s32 $0x10180, s10;
	s20 =	sor.u32 s12, s0;
	v42 =	vld [tilespmem:s19+$0x0]  }
0x146: {  	s28 =	sadd.s32 $0x10200, s10;
	s21 =	sor.u32 s12, s13;
	v43 =	vld [tilespmem:s20+$0x0]  }
0x147: {  	s22 =	sor.u32 s12, s28;
	s15 =	sadd.s32 $0x10280, s10;
	v44 =	vld [tilespmem:s21+$0x0]  }
0x148: {  	s16 =	sadd.s32 $0x10300, s10;
	s23 =	sor.u32 s12, s15;
	v45 =	vld [tilespmem:s22+$0x0]  }
0x149: {  	s8 =	sadd.s32 $0x10380, s10;
	s24 =	sor.u32 s12, s16;
	v17 =	vld [tilespmem:s23+$0x0]  }
0x14a: {  	s3 =	sor.u32 s12, s8;
	v18 =	vld [tilespmem:s24+$0x0]  }
0x14b: {  	v8 =	vadd.f32 v9, v8;
	v24 =	vld [tilespmem:s3+$0x0];
	s3 =	sor.u32 $0x20, s26  }
0x14c: {  	v9 =	vadd.f32 v41, v11;
	v5 =	vadd.f32 v10, v5;
	v10 =	vld [tilespmem:s25+$0x380];
	s2 =	sor.u32 s3, s11  }
0x14d: {  	v11 =	vld [tilespmem:s2+$0x0]  }
0x14e: {  	v6 =	vadd.f32 v6, v8;
	v5 =	vadd.f32 v9, v5;
	v8 =	vld [tilespmem:s2+$0x80]  }
0x14f: {  	v9 =	vld [tilespmem:s2+$0x100]  }
0x150: {  	v46 =	vld [tilespmem:s2+$0x200];
	v5 =	vadd.f32 v5, v6  }
0x151: {  	v26 =	vld [tilespmem:s2+$0x280]  }
0x152: {  	v48 =	vld [tilespmem:s2+$0x300];
	v5 =	vmul.f32 $1.000000000e+01, v5  }
0x153: {  	s5 =	sadd.s32 s26, s29;
	v19 =	vadd.f32 v20, v19;
	v47 =	vadd.f32 v22, v21;
	v49 =	vld [tilespmem:s2+$0x380]  }
0x154: {  	s31 =	sor.u32 s26, s14;
	v6 =	vld [tilespmem:s2+$0x180];
	v7 =	vadd.f32 v10, v7;
	[tilespmem:s5+$0x100] =	vst v5;
	v5 =	vadd.f32 v25, v23  }
0x155: {  	s6 =	sor.u32 s26, s1;
	v10 =	vld [tilespmem:s31+$0x0]  }
0x156: {  	v19 =	vadd.f32 v47, v19;
	s10 =	sor.u32 s26, s13;
	v50 =	vld [tilespmem:s6+$0x0];
	v5 =	vadd.f32 v7, v5  }
0x157: {  	s12 =	sor.u32 s26, s15;
	v51 =	vld [tilespmem:s10+$0x0]  }
0x158: {  	s17 =	sor.u32 s26, s16;
	v54 =	vld [tilespmem:s12+$0x0];
	v5 =	vadd.f32 v5, v19  }
0x159: {  	s18 =	sor.u32 s26, s8;
	v6 =	vadd.f32 v6, v9;
	v9 =	vld [tilespmem:s17+$0x0]  }
0x15a: {  	s9 =	sor.u32 s26, s0;
	v4 =	vadd.f32 v42, v4;
	v14 =	vadd.f32 v44, v43;
	v55 =	vld [tilespmem:s18+$0x0];
	v5 =	vmul.f32 $1.000000000e+01, v5  }
0x15b: {  	s11 =	sor.u32 s26, s28;
	v53 =	vadd.f32 v17, v45;
	v8 =	vadd.f32 v8, v11;
	s12 =	sadd.s32 s7, s29;
	v7 =	vld [tilespmem:s9+$0x0]  }
0x15c: {  	s19 =	sor.u32 s7, s14;
	v11 =	vadd.f32 v26, v46;
	v52 =	vld [tilespmem:s11+$0x0];
	[tilespmem:s12+$0x100] =	vst v5;
	v5 =	vadd.f32 v49, v48  }
0x15d: {  	s20 =	sor.u32 s7, s1;
	v56 =	vadd.f32 v24, v18;
	v4 =	vadd.f32 v14, v4;
	v57 =	vld [tilespmem:s19+$0x0]  }
0x15e: {  	s21 =	sor.u32 s7, s0;
	v6 =	vadd.f32 v6, v8;
	v8 =	vld [tilespmem:s20+$0x0];
	v5 =	vadd.f32 v5, v11  }
0x15f: {  	s22 =	sor.u32 s7, s13;
	v10 =	vadd.f32 v50, v10;
	v9 =	vadd.f32 v55, v9;
	v58 =	vld [tilespmem:s21+$0x0]  }
0x160: {  	s23 =	sor.u32 s7, s28;
	v7 =	vadd.f32 v51, v7;
	v59 =	vld [tilespmem:s22+$0x0];
	v5 =	vadd.f32 v5, v6  }
0x161: {  	s24 =	sor.u32 s7, s15;
	v60 =	vld [tilespmem:s23+$0x0];
	v11 =	vadd.f32 v56, v53;
	v6 =	vadd.f32 v54, v52  }
0x162: {  	s25 =	sor.u32 s7, s16;
	v61 =	vld [tilespmem:s24+$0x0];
	v7 =	vadd.f32 v7, v10;
	v5 =	vmul.f32 $1.000000000e+01, v5  }
0x163: {  	s26 =	sor.u32 s7, s8;
	s6 =	sadd.s32 s3, s29;
	v11 =	vadd.f32 v11, v4;
	v4 =	vld [tilespmem:s25+$0x0];
	v9 =	vadd.f32 v9, v6  }
0x164: {  	s29 =	sor.u32 s3, s14;
	v6 =	vld [tilespmem:s26+$0x0];
	v62 =	vadd.f32 v8, v57;
	[tilespmem:s6+$0x100] =	vst v5  }
0x165: {  	s1 =	sor.u32 s3, s1;
	v10 =	vmul.f32 $1.000000000e+01, v11;
	v63 =	vadd.f32 v59, v58;
	v7 =	vadd.f32 v9, v7;
	v5 =	vld [tilespmem:s29+$0x0]  }
0x166: {  	s13 =	sor.u32 s3, s13;
	s31 =	sor.u32 s3, s0;
	s0 =	sor.u32 s3, s15;
	v8 =	vld [tilespmem:s1+$0x0]  }
0x167: {  	s15 =	sor.u32 s3, s16;
	s14 =	sor.u32 s3, s8;
	[tilespmem:s4+$0x180] =	vst v10;
	v10 =	vadd.f32 v61, v60;
	s1 =	sor.u32 s3, s28;
	v9 =	vld [tilespmem:s31+$0x0];
	v11 =	vmul.f32 $1.000000000e+01, v7;
	v7 =	vadd.f32 v63, v62  }
.LBB2_7:
0x168: {  	s30 =	sadd.s32 $0x40, s30;
	v12 =	vld [tilespmem:s13+$0x0]  }
0x169: {  	s2 =	sshll.u32 s30, $0x3;
	[tilespmem:s5+$0x180] =	vst v11;
	v11 =	vld [tilespmem:s0+$0x0]  }
0x16a: {  	s13 =	sand.u32 $0x40, s30;
	v4 =	vadd.f32 v6, v4;
	v6 =	vld [tilespmem:s1+$0x0];
	s1 =	sand.u32 $0x3FFFFC00, s2  }
0x16b: {  	s0 =	sor.u32 $0x30, s13;
	v5 =	vadd.f32 v8, v5;
	v8 =	vld [tilespmem:s14+$0x0];
	s2 =	sadd.s32 $0xC000, s1  }
0x16c: {  	v4 =	vadd.f32 v4, v10;
	v10 =	vld [tilespmem:s15+$0x0];
	s11 =	sor.u32 s0, s2  }
0x16d: {  	v13 =	vld [tilespmem:s11+$0x0]  }
0x16e: {  	s3 =	sor.u32 s13, s2;
	v50 =	vld [tilespmem:s11+$0x100]  }
0x16f: {  	v14 =	vld [tilespmem:s3+$0x0]  }
0x170: {  	v15 =	vld [tilespmem:s3+$0x100];
	v4 =	vadd.f32 v4, v7  }
0x171: {  	v7 =	vadd.f32 v12, v9;
	v9 =	vld [tilespmem:s11+$0x80]  }
0x172: {  	v6 =	vadd.f32 v11, v6;
	v11 =	vld [tilespmem:s11+$0x200];
	v4 =	vmul.f32 $1.000000000e+01, v4  }
0x173: {  	v5 =	vadd.f32 v7, v5;
	v7 =	vld [tilespmem:s11+$0x180]  }
0x174: {  	[tilespmem:s12+$0x180] =	vst v4;
	v4 =	vadd.f32 v8, v10;
	v8 =	vld [tilespmem:s11+$0x280]  }
0x175: {  	v10 =	vld [tilespmem:s11+$0x300]  }
0x176: {  	v4 =	vadd.f32 v4, v6;
	v6 =	vld [tilespmem:s11+$0x380]  }
0x177: {  	s4 =	sor.u32 $0x10, s13;
	v16 =	vld [tilespmem:s3+$0x180]  }
0x178: {  	s14 =	sor.u32 s4, s2;
	v51 =	vld [tilespmem:s3+$0x200]  }
0x179: {  	v52 =	vld [tilespmem:s14+$0x180];
	v4 =	vadd.f32 v4, v5  }
0x17a: {  	v9 =	vadd.f32 v9, v13;
	v55 =	vld [tilespmem:s14+$0x280];
	v7 =	vadd.f32 v7, v50  }
0x17b: {  	v5 =	vld [tilespmem:s3+$0x80];
	v8 =	vadd.f32 v8, v11;
	v4 =	vmul.f32 $1.000000000e+01, v4;
	v6 =	vadd.f32 v6, v10  }
0x17c: {  	v10 =	vld [tilespmem:s3+$0x300]  }
0x17d: {  	v7 =	vadd.f32 v7, v9;
	[tilespmem:s6+$0x180] =	vst v4;
	v4 =	vld [tilespmem:s3+$0x280];
	v6 =	vadd.f32 v6, v8  }
0x17e: {  	v8 =	vld [tilespmem:s3+$0x380]  }
0x17f: {  	s29 =	sor.u32 $0x20, s13;
	s15 =	sshll.u32 s30, $0x2;
	v56 =	vld [tilespmem:s14+$0x300];
	v6 =	vadd.f32 v6, v7  }
0x180: {  	s16 =	rddreg [dreg:$0x4];
	s28 =	sor.u32 s29, s2;
	s2 =	sand.u32 $0x3FFFFE00, s15;
	v9 =	vadd.f32 v16, v15;
	v11 =	vld [tilespmem:s14+$0x0];
	v5 =	vadd.f32 v5, v14  }
0x181: {  	s2 =	sadd.s32 s2, s16;
	v7 =	vld [tilespmem:s14+$0x80];
	v6 =	vmul.f32 $1.000000000e+01, v6  }
0x182: {  	s16 =	sadd.s32 s0, s2;
	v57 =	vld [tilespmem:s14+$0x380];
	s3 =	sadd.s32 $0x10000, s1;
	v5 =	vadd.f32 v9, v5  }
0x183: {  	s15 =	sadd.s32 $0x10080, s1;
	s17 =	sor.u32 s0, s3;
	v9 =	vld [tilespmem:s14+$0x100];
	v4 =	vadd.f32 v4, v51;
	v8 =	vadd.f32 v8, v10;
	[tilespmem:s16+$0x100] =	vst v6  }
0x184: {  	s24 =	sadd.s32 $0x10100, s1;
	s18 =	sor.u32 s0, s15;
	v6 =	vld [tilespmem:s17+$0x0]  }
0x185: {  	s26 =	sadd.s32 $0x10200, s1;
	s20 =	sor.u32 s0, s24;
	v4 =	vadd.f32 v8, v4;
	v8 =	vld [tilespmem:s18+$0x0]  }
0x186: {  	s31 =	sor.u32 s0, s26;
	s12 =	sadd.s32 $0x10300, s1;
	v7 =	vadd.f32 v7, v11;
	v11 =	vld [tilespmem:s20+$0x0]  }
0x187: {  	s25 =	sadd.s32 $0x10180, s1;
	s11 =	sor.u32 s0, s12;
	v53 =	vld [tilespmem:s31+$0x0];
	v4 =	vadd.f32 v4, v5  }
0x188: {  	s23 =	sadd.s32 $0x10280, s1;
	s22 =	sor.u32 s0, s25;
	v54 =	vld [tilespmem:s11+$0x0];
	v5 =	vadd.f32 v52, v9  }
0x189: {  	s10 =	sor.u32 s0, s23;
	s17 =	sadd.s32 $0x10380, s1;
	v9 =	vld [tilespmem:s22+$0x0];
	v4 =	vmul.f32 $1.000000000e+01, v4  }
0x18a: {  	s9 =	sadd.s32 s13, s2;
	s0 =	sor.u32 s0, s17;
	v5 =	vadd.f32 v5, v7;
	v7 =	vld [tilespmem:s10+$0x0]  }
0x18b: {  	[tilespmem:s9+$0x100] =	vst v4;
	v4 =	vld [tilespmem:s0+$0x0]  }
0x18c: {  	v10 =	vld [tilespmem:s14+$0x200]  }
0x18d: {  	v17 =	vld [tilespmem:s28+$0x0]  }
0x18e: {  	s21 =	sor.u32 s13, s15;
	v58 =	vld [tilespmem:s28+$0x180]  }
0x18f: {  	[dreg:$0xd] =	wrdreg s21;
	v59 =	vld [tilespmem:s28+$0x280];
	s19 =	sor.u32 s13, s3;
	v6 =	vadd.f32 v8, v6;
	v8 =	vadd.f32 v9, v11  }
0x190: {  	s21 =	sor.u32 s13, s26;
	[dreg:$0xc] =	wrdreg s19;
	v9 =	vld [tilespmem:s28+$0x80];
	v7 =	vadd.f32 v7, v53;
	v4 =	vadd.f32 v4, v54  }
0x191: {  	s31 =	sor.u32 s4, s26;
	s1 =	sor.u32 s29, s26;
	s26 =	rddreg [dreg:$0xc];
	v10 =	vadd.f32 v55, v10;
	v11 =	vld [tilespmem:s28+$0x100];
	v6 =	vadd.f32 v8, v6  }
0x192: {  	v60 =	vld [tilespmem:s26+$0x0];
	v4 =	vadd.f32 v4, v7;
	v7 =	vadd.f32 v57, v56  }
0x193: {  	v8 =	vld [tilespmem:s28+$0x200]  }
0x194: {  	v4 =	vadd.f32 v4, v6;
	v6 =	vadd.f32 v7, v10;
	v7 =	vld [tilespmem:s28+$0x300]  }
0x195: {  	s5 =	sor.u32 s13, s24;
	v10 =	vld [tilespmem:s28+$0x380]  }
0x196: {  	s8 =	sor.u32 s13, s25;
	s7 =	sadd.s32 s4, s2;
	v61 =	vld [tilespmem:s21+$0x0];
	s28 =	rddreg [dreg:$0xd];
	v4 =	vmul.f32 $1.000000000e+01, v4;
	v5 =	vadd.f32 v6, v5  }
0x197: {  	s18 =	sor.u32 s13, s23;
	s20 =	sor.u32 s13, s17;
	s22 =	sor.u32 s13, s12;
	v9 =	vadd.f32 v9, v17;
	v6 =	vadd.f32 v58, v11;
	v11 =	vld [tilespmem:s28+$0x0]  }
0x198: {  	s13 =	sor.u32 s4, s12;
	s10 =	sor.u32 s4, s15;
	s15 =	sor.u32 s29, s15;
	[tilespmem:s16+$0x180] =	vst v4;
	v4 =	vld [tilespmem:s5+$0x0];
	v5 =	vmul.f32 $1.000000000e+01, v5  }
0x199: {  	[dreg:$0x9] =	wrdreg s15;
	s15 =	sor.u32 s29, s12;
	s12 =	smov.u32 s7;
	v6 =	vadd.f32 v6, v9;
	v9 =	vld [tilespmem:s8+$0x0]  }
0x19a: {  	v8 =	vadd.f32 v59, v8;
	[tilespmem:s12+$0x100] =	vst v5;
	v5 =	vadd.f32 v10, v7;
	v7 =	vld [tilespmem:s18+$0x0]  }
0x19b: {  	v10 =	vld [tilespmem:s22+$0x0]  }
0x19c: {  	s11 =	sor.u32 s4, s24;
	v5 =	vadd.f32 v5, v8;
	v8 =	vld [tilespmem:s20+$0x0]  }
0x19d: {  	s19 =	sor.u32 s4, s3;
	v11 =	vadd.f32 v11, v60;
	v62 =	vld [tilespmem:s11+$0x0]  }
0x19e: {  	v4 =	vadd.f32 v9, v4;
	v9 =	vld [tilespmem:s19+$0x0];
	v5 =	vadd.f32 v5, v6  }
0x19f: {  	p1 =	slt.u32 s30, $0x7C0;
	[dreg:$0x8] =	wrdreg s9;
	s9 =	sor.u32 s4, s25;
	v6 =	vld [tilespmem:s10+$0x0]  }
0x1a0: {  	s6 =	sadd.s32 s29, s2;
	s2 =	sor.u32 s4, s23;
	s3 =	sor.u32 s29, s3;
	v11 =	vadd.f32 v4, v11;
	v4 =	vmul.f32 $1.000000000e+01, v5;
	v5 =	vld [tilespmem:s9+$0x0]  }
0x1a1: {  	s24 =	sor.u32 s29, s24;
	s14 =	sor.u32 s29, s17;
	[dreg:$0xe] =	wrdreg s13;
	v63 =	vld [tilespmem:s2+$0x0];
	v7 =	vadd.f32 v7, v61;
	v8 =	vadd.f32 v8, v10  }
0x1a2: {  	s13 =	sor.u32 s29, s25;
	s0 =	sor.u32 s29, s23;
	s29 =	rddreg [dreg:$0xe];
	v10 =	vld [tilespmem:s31+$0x0]  }
.Ltmp2:
0x1a3: {  	s4 =	sor.u32 s4, s17;
	[tilespmem:s6+$0x100] =	vst v4;
	v4 =	vld [tilespmem:s29+$0x0];
	v7 =	vadd.f32 v8, v7;
	(pc) =	sbr.rel @p1 .LBB2_7-.Ltmp2, $4  }
0x1a4: {  	s31 =	rddreg [dreg:$0x9];
	v9 =	vadd.f32 v6, v9;
	v6 =	vld [tilespmem:s4+$0x0]  }
0x1a5: {  	v8 =	vld [tilespmem:s31+$0x0];
	v7 =	vadd.f32 v7, v11;
	v12 =	vadd.f32 v5, v62  }
0x1a6: {  	v5 =	vld [tilespmem:s3+$0x0]  }
0x1a7: {  	s5 =	rddreg [dreg:$0x8];
	v10 =	vadd.f32 v63, v10;
	v11 =	vmul.f32 $1.000000000e+01, v7;
	v7 =	vadd.f32 v12, v9;
	v9 =	vld [tilespmem:s24+$0x0]  }
0x1a8: {  	v12 =	vld [tilespmem:s13+$0x0]  }
0x1a9: {  	v13 =	vld [tilespmem:s1+$0x0]  }
0x1aa: {  	v14 =	vld [tilespmem:s0+$0x0]  }
0x1ab: {  	v15 =	vld [tilespmem:s15+$0x0]  }
0x1ac: {  	v16 =	vld [tilespmem:s14+$0x0];
	_ =	sdelay $0x2  }
0x1ad: {  	v4 =	vadd.f32 v6, v4  }
0x1ae: {  	v5 =	vadd.f32 v8, v5;
	v60 =	vadd.f32 v12, v9  }
0x1af: {  	v61 =	vadd.f32 v14, v13;
	v62 =	vadd.f32 v16, v15  }
0x1b0: {  	v4 =	vadd.f32 v4, v10  }
0x1b1: {  	v5 =	vadd.f32 v60, v5;
	v63 =	vadd.f32 v62, v61  }
0x1b2: {  	v4 =	vadd.f32 v4, v7  }
0x1b3: {  	v5 =	vadd.f32 v63, v5  }
0x1b4: {  	v4 =	vmul.f32 $1.000000000e+01, v4  }
0x1b5: {  	[tilespmem:s5+$0x180] =	vst v11;
	v5 =	vmul.f32 $1.000000000e+01, v5  }
0x1b6: {  	[tilespmem:s12+$0x180] =	vst v4  }
0x1b7: {  	[tilespmem:s6+$0x180] =	vst v5  }
0x1b8: {  	s0 =	rddreg [dreg:$0x1d]  }
0x1b9: {  	v4 =	vld @!p0 [tilespmem:s0+$0x180];
	_ =	sdelay $0x4  }
0x1ba: {  	v5 =	vshll.u32 @!p0 v4, $0x4  }
0x1bb: {  	v6 =	vlaneseq.u32 @!p0;
	v4 =	vand.u32 @!p0 $0x7, v4;
	v5 =	vand.u32 @!p0 $0xFFFFFF80, v5  }
0x1bc: {  	v7 =	vshrl.u32 @!p0 v6, $0x3;
	v4 =	vor.u32 @!p0 v4, v5;
	v5 =	vand.u32 @!p0 $0x7, v6  }
0x1bd: {  	v7 =	vmul.u32 @!p0 $0x8, v7;
	v5 =	vperm.xlane @!p0 v4, v5;
	_ =	sdelay $0x1  }
0x1be: {  	v5 =	vadd.s32 @!p0 v7, v5;
	_ =	sdelay $0x3  }
0x1bf: {  	s1 =	simm.s32 @!p0 $0xC000;
	s2 =	rddreg [dreg:$0x0];
	s0 =	simm.s32 @!p0 $0x0  }
0x1c0: {  	[tilespmem:s1], [sflag:$0x2] =	stream.indirect_vreg.gather @!p0 [hbm4b:s2+s0], $0x80, v5, vm1, $0xb8;
	[tilespmem:$0x1C000] =	vst v63  }
0x1c1: {  	s3 =	rddreg [dreg:$0x10];
	s1 =	simm.s32 @!p0 $0xC800  }
0x1c2: {  	[tilespmem:s1], [sflag:$0x2] =	stream.indirect_vreg.gather @!p0 [hbm4b:s3+s0], $0x80, v5, vm1, $0xb8;
	[tilespmem:$0x1C000] =	vst v63  }
0x1c3: {  	s4 =	rddreg [dreg:$0x11];
	s1 =	simm.s32 @!p0 $0xD000  }
0x1c4: {  	[tilespmem:s1], [sflag:$0x2] =	stream.indirect_vreg.gather @!p0 [hbm4b:s4+s0], $0x80, v5, vm1, $0xb8;
	[tilespmem:$0x1C000] =	vst v63  }
0x1c5: {  	s5 =	rddreg [dreg:$0x12];
	s1 =	simm.s32 @!p0 $0xD800  }
0x1c6: {  	[tilespmem:s1], [sflag:$0x2] =	stream.indirect_vreg.gather @!p0 [hbm4b:s5+s0], $0x80, v5, vm1, $0xb8;
	[tilespmem:$0x1C000] =	vst v63  }
0x1c7: {  	s6 =	rddreg [dreg:$0x13];
	s1 =	simm.s32 @!p0 $0xE000  }
0x1c8: {  	v6 =	vor.u32 @!p0 $0x8, v6;
	[tilespmem:s1], [sflag:$0x2] =	stream.indirect_vreg.gather @!p0 [hbm4b:s6+s0], $0x80, v5, vm1, $0xb8;
	[tilespmem:$0x1C000] =	vst v63  }
0x1c9: {  	s7 =	rddreg [dreg:$0x14];
	v4 =	vperm.xlane @!p0 v4, v6;
	s1 =	simm.s32 @!p0 $0xE800  }
0x1ca: {  	[tilespmem:s1], [sflag:$0x2] =	stream.indirect_vreg.gather @!p0 [hbm4b:s7+s0], $0x80, v5, vm1, $0xb8;
	[tilespmem:$0x1C000] =	vst v63  }
0x1cb: {  	s8 =	rddreg [dreg:$0x15];
	v4 =	vadd.s32 @!p0 v7, v4;
	s1 =	simm.s32 @!p0 $0xF000  }
0x1cc: {  	[tilespmem:s1], [sflag:$0x2] =	stream.indirect_vreg.gather @!p0 [hbm4b:s8+s0], $0x80, v5, vm1, $0xb8;
	[tilespmem:$0x1C000] =	vst v63  }
0x1cd: {  	s9 =	rddreg [dreg:$0x16];
	s1 =	simm.s32 @!p0 $0xF800  }
0x1ce: {  	[tilespmem:s1], [sflag:$0x2] =	stream.indirect_vreg.gather @!p0 [hbm4b:s9+s0], $0x80, v5, vm1, $0xb8;
	[tilespmem:$0x1C000] =	vst v63  }
0x1cf: {  	s1 =	simm.s32 @!p0 $0x10000  }
0x1d0: {  	[tilespmem:s1], [sflag:$0x2] =	stream.indirect_vreg.gather @!p0 [hbm4b:s2+s0], $0x80, v4, vm1, $0xb8;
	[tilespmem:$0x1C000] =	vst v63  }
0x1d1: {  	s1 =	simm.s32 @!p0 $0x10800  }
0x1d2: {  	[tilespmem:s1], [sflag:$0x2] =	stream.indirect_vreg.gather @!p0 [hbm4b:s3+s0], $0x80, v4, vm1, $0xb8;
	[tilespmem:$0x1C000] =	vst v63  }
0x1d3: {  	s1 =	simm.s32 @!p0 $0x11000  }
0x1d4: {  	[tilespmem:s1], [sflag:$0x2] =	stream.indirect_vreg.gather @!p0 [hbm4b:s4+s0], $0x80, v4, vm1, $0xb8;
	[tilespmem:$0x1C000] =	vst v63  }
0x1d5: {  	s1 =	simm.s32 @!p0 $0x11800  }
0x1d6: {  	[tilespmem:s1], [sflag:$0x2] =	stream.indirect_vreg.gather @!p0 [hbm4b:s5+s0], $0x80, v4, vm1, $0xb8;
	[tilespmem:$0x1C000] =	vst v63  }
0x1d7: {  	s1 =	simm.s32 @!p0 $0x12000  }
0x1d8: {  	[tilespmem:s1], [sflag:$0x2] =	stream.indirect_vreg.gather @!p0 [hbm4b:s6+s0], $0x80, v4, vm1, $0xb8;
	[tilespmem:$0x1C000] =	vst v63  }
0x1d9: {  	s1 =	simm.s32 @!p0 $0x12800  }
0x1da: {  	[tilespmem:s1], [sflag:$0x2] =	stream.indirect_vreg.gather @!p0 [hbm4b:s7+s0], $0x80, v4, vm1, $0xb8;
	[tilespmem:$0x1C000] =	vst v63  }
0x1db: {  	s1 =	simm.s32 @!p0 $0x13000  }
0x1dc: {  	[tilespmem:s1], [sflag:$0x2] =	stream.indirect_vreg.gather @!p0 [hbm4b:s8+s0], $0x80, v4, vm1, $0xb8;
	[tilespmem:$0x1C000] =	vst v63  }
0x1dd: {  	s31 =	rddreg [dreg:$0x1a];
	s1 =	simm.s32 @!p0 $0x13800  }
0x1de: {  	[tilespmem:s1], [sflag:$0x2] =	stream.indirect_vreg.gather @!p0 [hbm4b:s9+s0], $0x80, v4, vm1, $0xb8;
	[tilespmem:$0x1C000] =	vst v63  }
0x1df: {  	s9 =	sadd.s32 $0x1, s31  }
0x1e0: {  	p0 =	sne.s32 s9, $0x40  }
.Ltmp3:
0x1e1: {  	s25 =	rddreg [dreg:$0x1b];
	(pc) =	sbr.rel @p0 .LBB2_4-.Ltmp3, $4  }
0x1e2: {  	s26 =	rddreg [dreg:$0x17]  }
0x1e3: {  	s29 =	simm.s32 $0x0;
	s28 =	rddreg [dreg:$0x1c]  }
0x1e4: {  	s30 =	rddreg [dreg:$0x4];
	s0 =	sadd.s32 $0x3, s25;
	s1 =	sadd.s32 s28, s26  }
0x1e5: {  	[hbm4b:s1+s29] =	stream.linear.scatter [tilespmem:s30], [sflag:s0], $0x2000, $0x38;
	[tilespmem:$0x1C000] =	vst v63  }
0x1e6: {  	s0 =	simm.s32 $0x3  }
0x1e7: {  	_ =	swait.ge [sflag:s0], $0x2000  }
0x1e8: {  	[sflag:s0] =	ssyncset.done $0x0  }
0x1e9: {  	s29 =	simm.s32 $0x4;
	[sflag:s0] =	ssyncadd.s32 $0xFFFFE000  }
0x1ea: {  	_ =	swait.ge [sflag:s29], $0x2000  }
0x1eb: {  	[sflag:s29] =	ssyncset.done $0x0  }
0x1ec: {  	s30 =	simm.s32 $0x5;
	[sflag:s29] =	ssyncadd.s32 $0xFFFFE000  }
0x1ed: {  	_ =	swait.ge [sflag:s30], $0x2000  }
0x1ee: {  	[sflag:s30] =	ssyncset.done $0x0  }
0x1ef: {  	s1 =	simm.s32 $0x6;
	[sflag:s30] =	ssyncadd.s32 $0xFFFFE000  }
0x1f0: {  	_ =	swait.ge [sflag:s1], $0x2000  }
0x1f1: {  	s2 =	rddreg [dreg:$0x19]  }
0x1f2: {  	s31 =	rddreg [dreg:$0x18];
	s2 =	sadd.s32 $0x1, s2  }
0x1f3: {  	p0 =	sne.s32 s2, s31  }
.Ltmp4:
0x1f4: {  	_ = 	snop;
	(pc) =	sbr.rel @p0 .LBB2_1-.Ltmp4, $3  }
0x1f5: {  	_ =	sdelay $0x1  }
0x1f6: {  	[sflag:s1] =	ssyncset.done $0x0  }
0x1f7: {  	[sflag:s1] =	ssyncadd.s32 $0xFFFFE000  }
0x1f8: {  	_ =	sfence.sel $0x180000  }
0x1f9: {  	[bflag:$0x0] =	sbarrier.arrive $0xFFFF  }
0x1fa: {  	_ =	strace $0x90000047  }
0x1fb: {  	s0 =	stileid.u32;
	[bflag:$0x2] =	sbarrier.arrive $0xFFFF  }
0x1fc: {  	p0 =	sne.s32 s0, $0x0;
	s0 =	rddreg [dreg:$0x3]  }
0x1fd: {  	s0 =	sadd.s32 @!p0 $0x100000, s0  }
0x1fe: {  	[sflag:s0] =	ssyncadd.tile.s32 @!p0 $0x1;
	_ =	shalt  }
.Lfunc_end2:
_tile_overlayer_lowered:
.L_overlay_start_2:
0x1ff: {  	(tag) =	ssettag $0x2  }
0x200: {  	s0 =	rddreg [dreg:$0x0];
	s2 =	stileid.u32  }
0x201: {  	s1 =	rddreg [dreg:$0x1];
	p0 =	sne.s32 s2, $0x0  }
0x202: {  	s3 =	rddreg [dreg:$0x2];
	[bflag:$0x3] =	sbarrier.arrive $0xFFFF;
	s2 =	simm.s32 @!p0 $0x1C07  }
0x203: {  	[timem:s3], [sflag:s2] =	dma.local @!p0 [hbm:s0], s1  }
0x204: {  	s0 =	simm.s32 @!p0 $0x7  }
0x205: {  	_ =	swait.ge @!p0 [sflag:s0], s1  }
0x206: {  	s1 =	ssub.s32 @!p0 $0x0, s1;
	[sflag:s0] =	ssyncset.done @!p0 $0x0  }
0x207: {  	[sflag:s0] =	ssyncadd.s32 @!p0 s1  }
0x208: {  	[bflag:$0x3] =	sbarrier.arrive $0xFFFF  }
0x209: {  	_ =	shalt  }

</sc_bundles>
